<compile_context>
chip_gen: v7x
topology: tpu7x:2x2x1
jax: 0.10.2.dev20260603
libtpu: 0.0.44.dev20260713+nightly
codegen_flags: <defaults>
</compile_context>

<pallas_src>
import functools

import jax
import jax.numpy as jnp
from jax import lax
from jax.experimental import pallas as pl
from jax.experimental.pallas import tpu as pltpu
from jax.experimental.pallas import tpu_sc as plsc

EMB_DIM = 64
BATCH = 4096
HIST = 200
SPLIT = 128
REM = HIST - SPLIT

_INFO = plsc.get_sparse_core_info()
NC = _INFO.num_cores
NS = _INFO.num_subcores
NW = NC * NS
ROWS_W = BATCH // NW
NB = 4
NG = ROWS_W // NB


def _gather_body(idx_hbm, table_hbm, out_hbm, idx_v, buf,
                 sem_g0, sem_g1, sem_g2, sem_g3,
                 sem_s0, sem_s1, sem_s2, sem_s3):
    sem_g = (sem_g0, sem_g1, sem_g2, sem_g3)
    sem_s = (sem_s0, sem_s1, sem_s2, sem_s3)
    c = lax.axis_index("c")
    s = lax.axis_index("s")
    wid = s * NC + c
    base_row = wid * ROWS_W

    pltpu.sync_copy(idx_hbm.at[pl.ds(base_row, ROWS_W)], idx_v)

    def fire_gathers(b, r):
        pltpu.async_copy(
            table_hbm.at[idx_v.at[r, pl.ds(0, SPLIT)]],
            buf.at[b, pl.ds(0, SPLIT)],
            sem_g[b],
        )
        pltpu.async_copy(
            table_hbm.at[idx_v.at[r, pl.ds(SPLIT, REM)]],
            buf.at[b, pl.ds(SPLIT, REM)],
            sem_g[b],
        )

    def wait_gathers(b):
        pltpu.make_async_copy(
            table_hbm.at[idx_v.at[0, pl.ds(0, SPLIT)]],
            buf.at[b, pl.ds(0, SPLIT)], sem_g[b],
        ).wait()
        pltpu.make_async_copy(
            table_hbm.at[idx_v.at[0, pl.ds(SPLIT, REM)]],
            buf.at[b, pl.ds(SPLIT, REM)], sem_g[b],
        ).wait()

    for b in range(NB):
        fire_gathers(b, b)

    def round_body(g, carry):
        for b in range(NB):
            r = g * NB + b
            wait_gathers(b)
            pltpu.async_copy(buf.at[b], out_hbm.at[base_row + r], sem_s[b])
            pltpu.make_async_copy(
                buf.at[b], out_hbm.at[base_row], sem_s[b],
            ).wait()

            @pl.when(r + NB < ROWS_W)
            def _():
                fire_gathers(b, r + NB)
        return carry

    lax.fori_loop(0, NG, round_body, 0)


@functools.partial(
    pl.kernel,
    out_type=jax.ShapeDtypeStruct((BATCH, HIST, EMB_DIM), jnp.float32),
    mesh=plsc.VectorSubcoreMesh(core_axis_name="c", subcore_axis_name="s"),
    scratch_types=[
        pltpu.VMEM((ROWS_W, HIST), jnp.int32),
        pltpu.VMEM((NB, HIST, EMB_DIM), jnp.float32),
        pltpu.SemaphoreType.DMA,
        pltpu.SemaphoreType.DMA,
        pltpu.SemaphoreType.DMA,
        pltpu.SemaphoreType.DMA,
        pltpu.SemaphoreType.DMA,
        pltpu.SemaphoreType.DMA,
        pltpu.SemaphoreType.DMA,
        pltpu.SemaphoreType.DMA,
    ],
    compiler_params=pltpu.CompilerParams(use_tc_tiling_on_sc=False),
)
def _gather_kernel(idx_hbm, table_hbm, out_hbm, idx_v, buf,
                   sem_g0, sem_g1, sem_g2, sem_g3,
                   sem_s0, sem_s1, sem_s2, sem_s3):
    _gather_body(idx_hbm, table_hbm, out_hbm, idx_v, buf,
                 sem_g0, sem_g1, sem_g2, sem_g3,
                 sem_s0, sem_s1, sem_s2, sem_s3)


def kernel(indices, table):
    return _gather_kernel(indices, table)

# --- scband reference (transcript-rebuilt; emitter-appended) ---
"""Pipeline reference for scband-representation-module-19756849561773 (READ-ONLY COPY).

The authoritative reference and input builder live on the scoring server;
editing this copy changes nothing except your own understanding.
"""

import jax, jax.numpy as jnp
import numpy as np

MAX_ID = 1000000
EMB_DIM = 64
BATCH = 4096
HIST = 200

def setup_inputs(seed: int = 0) -> dict:
    key = jax.random.key(seed)
    k_idx, k_tab = jax.random.split(key)
    indices = jax.random.randint(k_idx, (BATCH, HIST), 0, MAX_ID, dtype=jnp.int64 if jax.config.jax_enable_x64 else jnp.int32).astype(jnp.int32)
    table = jax.random.normal(k_tab, (MAX_ID, EMB_DIM), dtype=jnp.float32)
    return {"indices": indices, "table": table}

def reference(indices, table):
    # RepresentationModule.forward(indices) for an embedding-backed representation:
    # maps integer IDs to representations of shape (*indices.shape, *self.shape)
    return jnp.take(table, indices, axis=0)

if __name__ == "__main__":
    import jax
    _d = setup_inputs()
    print(jax.jit(kernel)(*tuple(_d.values())))

</pallas_src>

<mosaic_0001>
#map = affine_map<(d0, d1) -> (0, 0)>
#map1 = affine_map<(d0, d1) -> (0, 0, 0)>
module attributes {stable_mosaic.version = 14 : i64} {
  func.func @_gather_kernel(%arg0: i32, %arg1: i32, %arg2: memref<4096x200xi32, #tpu.memory_space<hbm>>, %arg3: memref<1000000x64xf32, #tpu.memory_space<hbm>>, %arg4: memref<4096x200x64xf32, #tpu.memory_space<hbm>>, %arg5: memref<128x200xi32, #tpu.memory_space<vmem>>, %arg6: memref<4x200x64xf32, #tpu.memory_space<vmem>>, %arg7: memref<!tpu.dma_semaphore, #tpu.memory_space<semaphore_mem>>, %arg8: memref<!tpu.dma_semaphore, #tpu.memory_space<semaphore_mem>>, %arg9: memref<!tpu.dma_semaphore, #tpu.memory_space<semaphore_mem>>, %arg10: memref<!tpu.dma_semaphore, #tpu.memory_space<semaphore_mem>>, %arg11: memref<!tpu.dma_semaphore, #tpu.memory_space<semaphore_mem>>, %arg12: memref<!tpu.dma_semaphore, #tpu.memory_space<semaphore_mem>>, %arg13: memref<!tpu.dma_semaphore, #tpu.memory_space<semaphore_mem>>, %arg14: memref<!tpu.dma_semaphore, #tpu.memory_space<semaphore_mem>>) attributes {dimension_semantics = [#tpu.dimension_semantics<core_parallel>, #tpu.dimension_semantics<subcore_parallel>], iteration_bounds = array<i64: 2, 16>, scalar_prefetch = 0 : i64, scratch_operands = 10 : i64, tpu.core_type = #tpu.core_type<sc_vector_subcore>, window_params = [{transform_indices = #map}, {transform_indices = #map}, {transform_indices = #map1}]} {
    %mul3A = arith.constant 2 : i32
    %mul3A_0 = arith.muli %arg1, %mul3A : i32
    %add3A = arith.addi %mul3A_0, %arg0 : i32
    %mul3A_1 = arith.constant 128 : i32
    %mul3A_2 = arith.muli %add3A, %mul3A_1 : i32
    "tpu.region"() ({
      %run_scoped3A = tpu.sem_alloc : memref<!tpu.dma_semaphore, #tpu.memory_space<semaphore_mem>>
      %dma_start3A_103 = arith.constant 0 : i32
      %dma_start3A_104 = tpu.memref_slice %arg2[%mul3A_2, %dma_start3A_103] : memref<4096x200xi32, #tpu.memory_space<hbm>> -> memref<128x200xi32, #tpu.memory_space<hbm>>
      %dma_start3A_105 = arith.constant 0 : i32
      %dma_start3A_106 = tpu.memref_slice %arg2[%mul3A_2, %dma_start3A_105] : memref<4096x200xi32, #tpu.memory_space<hbm>> -> memref<128x200xi32, #tpu.memory_space<hbm>>
      tpu.enqueue_dma source(%dma_start3A_106 : memref<128x200xi32, #tpu.memory_space<hbm>>) target(%arg5 : memref<128x200xi32, #tpu.memory_space<vmem>>) target_semaphore(%run_scoped3A : memref<!tpu.dma_semaphore, #tpu.memory_space<semaphore_mem>>)
      %dma_wait3A = arith.constant 0 : i32
      %dma_wait3A_107 = tpu.memref_slice %arg2[%mul3A_2, %dma_wait3A] : memref<4096x200xi32, #tpu.memory_space<hbm>> -> memref<128x200xi32, #tpu.memory_space<hbm>>
      %dma_wait3A_108 = arith.constant 0 : i32
      %dma_wait3A_109 = tpu.memref_slice %arg2[%mul3A_2, %dma_wait3A_108] : memref<4096x200xi32, #tpu.memory_space<hbm>> -> memref<128x200xi32, #tpu.memory_space<hbm>>
      tpu.wait_dma2 semaphore(%run_scoped3A : memref<!tpu.dma_semaphore, #tpu.memory_space<semaphore_mem>>) src(%dma_wait3A_109 : memref<128x200xi32, #tpu.memory_space<hbm>>) dst(%arg5 : memref<128x200xi32, #tpu.memory_space<vmem>>)
      tpu.yield
    }) : () -> ()
    %dma_start3A = arith.constant 0 : i32
    %dma_start3A_3 = arith.constant 0 : i32
    %dma_start3A_4 = arith.constant 0 : i32
    %dma_start3A_5 = arith.constant 0 : i32
    %dma_start3A_6 = tpu.memref_slice %arg6[%dma_start3A_3, %dma_start3A_4, %dma_start3A_5] : memref<4x200x64xf32, #tpu.memory_space<vmem>> -> memref<1x128x64xf32, #tpu.memory_space<vmem>>
    %dma_start3A_7 = tpu.memref_squeeze %dma_start3A_6 : memref<1x128x64xf32, #tpu.memory_space<vmem>> -> memref<128x64xf32, #tpu.memory_space<vmem>>
    %dma_start3A_8 = arith.constant 0 : i32
    %dma_start3A_9 = tpu.memref_slice %arg5[%dma_start3A, %dma_start3A_8] : memref<128x200xi32, #tpu.memory_space<vmem>> -> memref<1x128xi32, #tpu.memory_space<vmem>>
    %dma_start3A_10 = tpu.memref_squeeze %dma_start3A_9 : memref<1x128xi32, #tpu.memory_space<vmem>> -> memref<128xi32, #tpu.memory_space<vmem>>
    %dma_start3A_11 = arith.constant 0 : i32
    %dma_start3A_12 = arith.constant 0 : i32
    %dma_start3A_13 = tpu.memref_slice %arg3[%dma_start3A_11, %dma_start3A_12] : memref<1000000x64xf32, #tpu.memory_space<hbm>> -> memref<1000000x64xf32, #tpu.memory_space<hbm>>
    tpu.enqueue_indirect_dma source(%dma_start3A_13 : memref<1000000x64xf32, #tpu.memory_space<hbm>>) target(%dma_start3A_7 : memref<128x64xf32, #tpu.memory_space<vmem>>) offsets(%dma_start3A_10 : memref<128xi32, #tpu.memory_space<vmem>>) semaphore(%arg7 : memref<!tpu.dma_semaphore, #tpu.memory_space<semaphore_mem>>)
    %dma_start3A_14 = arith.constant 0 : i32
    %dma_start3A_15 = arith.constant 0 : i32
    %dma_start3A_16 = arith.constant 128 : i32
    %dma_start3A_17 = arith.constant 0 : i32
    %dma_start3A_18 = tpu.memref_slice %arg6[%dma_start3A_15, %dma_start3A_16, %dma_start3A_17] : memref<4x200x64xf32, #tpu.memory_space<vmem>> -> memref<1x72x64xf32, #tpu.memory_space<vmem>>
    %dma_start3A_19 = tpu.memref_squeeze %dma_start3A_18 : memref<1x72x64xf32, #tpu.memory_space<vmem>> -> memref<72x64xf32, #tpu.memory_space<vmem>>
    %dma_start3A_20 = arith.constant 128 : i32
    %dma_start3A_21 = tpu.memref_slice %arg5[%dma_start3A_14, %dma_start3A_20] : memref<128x200xi32, #tpu.memory_space<vmem>> -> memref<1x72xi32, #tpu.memory_space<vmem>>
    %dma_start3A_22 = tpu.memref_squeeze %dma_start3A_21 : memref<1x72xi32, #tpu.memory_space<vmem>> -> memref<72xi32, #tpu.memory_space<vmem>>
    %dma_start3A_23 = arith.constant 0 : i32
    %dma_start3A_24 = arith.constant 0 : i32
    %dma_start3A_25 = tpu.memref_slice %arg3[%dma_start3A_23, %dma_start3A_24] : memref<1000000x64xf32, #tpu.memory_space<hbm>> -> memref<1000000x64xf32, #tpu.memory_space<hbm>>
    tpu.enqueue_indirect_dma source(%dma_start3A_25 : memref<1000000x64xf32, #tpu.memory_space<hbm>>) target(%dma_start3A_19 : memref<72x64xf32, #tpu.memory_space<vmem>>) offsets(%dma_start3A_22 : memref<72xi32, #tpu.memory_space<vmem>>) semaphore(%arg7 : memref<!tpu.dma_semaphore, #tpu.memory_space<semaphore_mem>>)
    %dma_start3A_26 = arith.constant 1 : i32
    %dma_start3A_27 = arith.constant 1 : i32
    %dma_start3A_28 = arith.constant 0 : i32
    %dma_start3A_29 = arith.constant 0 : i32
    %dma_start3A_30 = tpu.memref_slice %arg6[%dma_start3A_27, %dma_start3A_28, %dma_start3A_29] : memref<4x200x64xf32, #tpu.memory_space<vmem>> -> memref<1x128x64xf32, #tpu.memory_space<vmem>>
    %dma_start3A_31 = tpu.memref_squeeze %dma_start3A_30 : memref<1x128x64xf32, #tpu.memory_space<vmem>> -> memref<128x64xf32, #tpu.memory_space<vmem>>
    %dma_start3A_32 = arith.constant 0 : i32
    %dma_start3A_33 = tpu.memref_slice %arg5[%dma_start3A_26, %dma_start3A_32] : memref<128x200xi32, #tpu.memory_space<vmem>> -> memref<1x128xi32, #tpu.memory_space<vmem>>
    %dma_start3A_34 = tpu.memref_squeeze %dma_start3A_33 : memref<1x128xi32, #tpu.memory_space<vmem>> -> memref<128xi32, #tpu.memory_space<vmem>>
    %dma_start3A_35 = arith.constant 0 : i32
    %dma_start3A_36 = arith.constant 0 : i32
    %dma_start3A_37 = tpu.memref_slice %arg3[%dma_start3A_35, %dma_start3A_36] : memref<1000000x64xf32, #tpu.memory_space<hbm>> -> memref<1000000x64xf32, #tpu.memory_space<hbm>>
    tpu.enqueue_indirect_dma source(%dma_start3A_37 : memref<1000000x64xf32, #tpu.memory_space<hbm>>) target(%dma_start3A_31 : memref<128x64xf32, #tpu.memory_space<vmem>>) offsets(%dma_start3A_34 : memref<128xi32, #tpu.memory_space<vmem>>) semaphore(%arg8 : memref<!tpu.dma_semaphore, #tpu.memory_space<semaphore_mem>>)
    %dma_start3A_38 = arith.constant 1 : i32
    %dma_start3A_39 = arith.constant 1 : i32
    %dma_start3A_40 = arith.constant 128 : i32
    %dma_start3A_41 = arith.constant 0 : i32
    %dma_start3A_42 = tpu.memref_slice %arg6[%dma_start3A_39, %dma_start3A_40, %dma_start3A_41] : memref<4x200x64xf32, #tpu.memory_space<vmem>> -> memref<1x72x64xf32, #tpu.memory_space<vmem>>
    %dma_start3A_43 = tpu.memref_squeeze %dma_start3A_42 : memref<1x72x64xf32, #tpu.memory_space<vmem>> -> memref<72x64xf32, #tpu.memory_space<vmem>>
    %dma_start3A_44 = arith.constant 128 : i32
    %dma_start3A_45 = tpu.memref_slice %arg5[%dma_start3A_38, %dma_start3A_44] : memref<128x200xi32, #tpu.memory_space<vmem>> -> memref<1x72xi32, #tpu.memory_space<vmem>>
    %dma_start3A_46 = tpu.memref_squeeze %dma_start3A_45 : memref<1x72xi32, #tpu.memory_space<vmem>> -> memref<72xi32, #tpu.memory_space<vmem>>
    %dma_start3A_47 = arith.constant 0 : i32
    %dma_start3A_48 = arith.constant 0 : i32
    %dma_start3A_49 = tpu.memref_slice %arg3[%dma_start3A_47, %dma_start3A_48] : memref<1000000x64xf32, #tpu.memory_space<hbm>> -> memref<1000000x64xf32, #tpu.memory_space<hbm>>
    tpu.enqueue_indirect_dma source(%dma_start3A_49 : memref<1000000x64xf32, #tpu.memory_space<hbm>>) target(%dma_start3A_43 : memref<72x64xf32, #tpu.memory_space<vmem>>) offsets(%dma_start3A_46 : memref<72xi32, #tpu.memory_space<vmem>>) semaphore(%arg8 : memref<!tpu.dma_semaphore, #tpu.memory_space<semaphore_mem>>)
    %dma_start3A_50 = arith.constant 2 : i32
    %dma_start3A_51 = arith.constant 2 : i32
    %dma_start3A_52 = arith.constant 0 : i32
    %dma_start3A_53 = arith.constant 0 : i32
    %dma_start3A_54 = tpu.memref_slice %arg6[%dma_start3A_51, %dma_start3A_52, %dma_start3A_53] : memref<4x200x64xf32, #tpu.memory_space<vmem>> -> memref<1x128x64xf32, #tpu.memory_space<vmem>>
    %dma_start3A_55 = tpu.memref_squeeze %dma_start3A_54 : memref<1x128x64xf32, #tpu.memory_space<vmem>> -> memref<128x64xf32, #tpu.memory_space<vmem>>
    %dma_start3A_56 = arith.constant 0 : i32
    %dma_start3A_57 = tpu.memref_slice %arg5[%dma_start3A_50, %dma_start3A_56] : memref<128x200xi32, #tpu.memory_space<vmem>> -> memref<1x128xi32, #tpu.memory_space<vmem>>
    %dma_start3A_58 = tpu.memref_squeeze %dma_start3A_57 : memref<1x128xi32, #tpu.memory_space<vmem>> -> memref<128xi32, #tpu.memory_space<vmem>>
    %dma_start3A_59 = arith.constant 0 : i32
    %dma_start3A_60 = arith.constant 0 : i32
    %dma_start3A_61 = tpu.memref_slice %arg3[%dma_start3A_59, %dma_start3A_60] : memref<1000000x64xf32, #tpu.memory_space<hbm>> -> memref<1000000x64xf32, #tpu.memory_space<hbm>>
    tpu.enqueue_indirect_dma source(%dma_start3A_61 : memref<1000000x64xf32, #tpu.memory_space<hbm>>) target(%dma_start3A_55 : memref<128x64xf32, #tpu.memory_space<vmem>>) offsets(%dma_start3A_58 : memref<128xi32, #tpu.memory_space<vmem>>) semaphore(%arg9 : memref<!tpu.dma_semaphore, #tpu.memory_space<semaphore_mem>>)
    %dma_start3A_62 = arith.constant 2 : i32
    %dma_start3A_63 = arith.constant 2 : i32
    %dma_start3A_64 = arith.constant 128 : i32
    %dma_start3A_65 = arith.constant 0 : i32
    %dma_start3A_66 = tpu.memref_slice %arg6[%dma_start3A_63, %dma_start3A_64, %dma_start3A_65] : memref<4x200x64xf32, #tpu.memory_space<vmem>> -> memref<1x72x64xf32, #tpu.memory_space<vmem>>
    %dma_start3A_67 = tpu.memref_squeeze %dma_start3A_66 : memref<1x72x64xf32, #tpu.memory_space<vmem>> -> memref<72x64xf32, #tpu.memory_space<vmem>>
    %dma_start3A_68 = arith.constant 128 : i32
    %dma_start3A_69 = tpu.memref_slice %arg5[%dma_start3A_62, %dma_start3A_68] : memref<128x200xi32, #tpu.memory_space<vmem>> -> memref<1x72xi32, #tpu.memory_space<vmem>>
    %dma_start3A_70 = tpu.memref_squeeze %dma_start3A_69 : memref<1x72xi32, #tpu.memory_space<vmem>> -> memref<72xi32, #tpu.memory_space<vmem>>
    %dma_start3A_71 = arith.constant 0 : i32
    %dma_start3A_72 = arith.constant 0 : i32
    %dma_start3A_73 = tpu.memref_slice %arg3[%dma_start3A_71, %dma_start3A_72] : memref<1000000x64xf32, #tpu.memory_space<hbm>> -> memref<1000000x64xf32, #tpu.memory_space<hbm>>
    tpu.enqueue_indirect_dma source(%dma_start3A_73 : memref<1000000x64xf32, #tpu.memory_space<hbm>>) target(%dma_start3A_67 : memref<72x64xf32, #tpu.memory_space<vmem>>) offsets(%dma_start3A_70 : memref<72xi32, #tpu.memory_space<vmem>>) semaphore(%arg9 : memref<!tpu.dma_semaphore, #tpu.memory_space<semaphore_mem>>)
    %dma_start3A_74 = arith.constant 3 : i32
    %dma_start3A_75 = arith.constant 3 : i32
    %dma_start3A_76 = arith.constant 0 : i32
    %dma_start3A_77 = arith.constant 0 : i32
    %dma_start3A_78 = tpu.memref_slice %arg6[%dma_start3A_75, %dma_start3A_76, %dma_start3A_77] : memref<4x200x64xf32, #tpu.memory_space<vmem>> -> memref<1x128x64xf32, #tpu.memory_space<vmem>>
    %dma_start3A_79 = tpu.memref_squeeze %dma_start3A_78 : memref<1x128x64xf32, #tpu.memory_space<vmem>> -> memref<128x64xf32, #tpu.memory_space<vmem>>
    %dma_start3A_80 = arith.constant 0 : i32
    %dma_start3A_81 = tpu.memref_slice %arg5[%dma_start3A_74, %dma_start3A_80] : memref<128x200xi32, #tpu.memory_space<vmem>> -> memref<1x128xi32, #tpu.memory_space<vmem>>
    %dma_start3A_82 = tpu.memref_squeeze %dma_start3A_81 : memref<1x128xi32, #tpu.memory_space<vmem>> -> memref<128xi32, #tpu.memory_space<vmem>>
    %dma_start3A_83 = arith.constant 0 : i32
    %dma_start3A_84 = arith.constant 0 : i32
    %dma_start3A_85 = tpu.memref_slice %arg3[%dma_start3A_83, %dma_start3A_84] : memref<1000000x64xf32, #tpu.memory_space<hbm>> -> memref<1000000x64xf32, #tpu.memory_space<hbm>>
    tpu.enqueue_indirect_dma source(%dma_start3A_85 : memref<1000000x64xf32, #tpu.memory_space<hbm>>) target(%dma_start3A_79 : memref<128x64xf32, #tpu.memory_space<vmem>>) offsets(%dma_start3A_82 : memref<128xi32, #tpu.memory_space<vmem>>) semaphore(%arg10 : memref<!tpu.dma_semaphore, #tpu.memory_space<semaphore_mem>>)
    %dma_start3A_86 = arith.constant 3 : i32
    %dma_start3A_87 = arith.constant 3 : i32
    %dma_start3A_88 = arith.constant 128 : i32
    %dma_start3A_89 = arith.constant 0 : i32
    %dma_start3A_90 = tpu.memref_slice %arg6[%dma_start3A_87, %dma_start3A_88, %dma_start3A_89] : memref<4x200x64xf32, #tpu.memory_space<vmem>> -> memref<1x72x64xf32, #tpu.memory_space<vmem>>
    %dma_start3A_91 = tpu.memref_squeeze %dma_start3A_90 : memref<1x72x64xf32, #tpu.memory_space<vmem>> -> memref<72x64xf32, #tpu.memory_space<vmem>>
    %dma_start3A_92 = arith.constant 128 : i32
    %dma_start3A_93 = tpu.memref_slice %arg5[%dma_start3A_86, %dma_start3A_92] : memref<128x200xi32, #tpu.memory_space<vmem>> -> memref<1x72xi32, #tpu.memory_space<vmem>>
    %dma_start3A_94 = tpu.memref_squeeze %dma_start3A_93 : memref<1x72xi32, #tpu.memory_space<vmem>> -> memref<72xi32, #tpu.memory_space<vmem>>
    %dma_start3A_95 = arith.constant 0 : i32
    %dma_start3A_96 = arith.constant 0 : i32
    %dma_start3A_97 = tpu.memref_slice %arg3[%dma_start3A_95, %dma_start3A_96] : memref<1000000x64xf32, #tpu.memory_space<hbm>> -> memref<1000000x64xf32, #tpu.memory_space<hbm>>
    tpu.enqueue_indirect_dma source(%dma_start3A_97 : memref<1000000x64xf32, #tpu.memory_space<hbm>>) target(%dma_start3A_91 : memref<72x64xf32, #tpu.memory_space<vmem>>) offsets(%dma_start3A_94 : memref<72xi32, #tpu.memory_space<vmem>>) semaphore(%arg10 : memref<!tpu.dma_semaphore, #tpu.memory_space<semaphore_mem>>)
    %scan3A = arith.constant 0 : i32
    %scan3A_98 = arith.constant 0 : i32
    %scan3A_99 = arith.constant 32 : i32
    %scan3A_100 = arith.addi %scan3A_98, %scan3A_99 : i32
    %scan3A_101 = arith.constant 1 : i32
    scf.for %scan3A_103 = %scan3A_98 to %scan3A_100 step %scan3A_101  : i32 {
      %mul3A_104 = arith.constant 4 : i32
      %mul3A_105 = arith.muli %scan3A_103, %mul3A_104 : i32
      %add3A_106 = arith.constant 0 : i32
      %add3A_107 = arith.addi %mul3A_105, %add3A_106 : i32
      %dma_wait3A = arith.constant 0 : i32
      %dma_wait3A_108 = arith.constant 0 : i32
      %dma_wait3A_109 = arith.constant 0 : i32
      %dma_wait3A_110 = arith.constant 0 : i32
      %dma_wait3A_111 = tpu.memref_slice %arg6[%dma_wait3A_108, %dma_wait3A_109, %dma_wait3A_110] : memref<4x200x64xf32, #tpu.memory_space<vmem>> -> memref<1x128x64xf32, #tpu.memory_space<vmem>>
      %dma_wait3A_112 = tpu.memref_squeeze %dma_wait3A_111 : memref<1x128x64xf32, #tpu.memory_space<vmem>> -> memref<128x64xf32, #tpu.memory_space<vmem>>
      %dma_wait3A_113 = arith.constant 0 : i32
      %dma_wait3A_114 = tpu.memref_slice %arg5[%dma_wait3A, %dma_wait3A_113] : memref<128x200xi32, #tpu.memory_space<vmem>> -> memref<1x128xi32, #tpu.memory_space<vmem>>
      %dma_wait3A_115 = tpu.memref_squeeze %dma_wait3A_114 : memref<1x128xi32, #tpu.memory_space<vmem>> -> memref<128xi32, #tpu.memory_space<vmem>>
      %dma_wait3A_116 = arith.constant 0 : i32
      %dma_wait3A_117 = arith.constant 0 : i32
      %dma_wait3A_118 = tpu.memref_slice %arg3[%dma_wait3A_116, %dma_wait3A_117] : memref<1000000x64xf32, #tpu.memory_space<hbm>> -> memref<1000000x64xf32, #tpu.memory_space<hbm>>
      tpu.wait_indirect_dma semaphore(%arg7 : memref<!tpu.dma_semaphore, #tpu.memory_space<semaphore_mem>>) src(%dma_wait3A_118 : memref<1000000x64xf32, #tpu.memory_space<hbm>>) dst(%dma_wait3A_112 : memref<128x64xf32, #tpu.memory_space<vmem>>)
      %dma_wait3A_119 = arith.constant 0 : i32
      %dma_wait3A_120 = arith.constant 0 : i32
      %dma_wait3A_121 = arith.constant 128 : i32
      %dma_wait3A_122 = arith.constant 0 : i32
      %dma_wait3A_123 = tpu.memref_slice %arg6[%dma_wait3A_120, %dma_wait3A_121, %dma_wait3A_122] : memref<4x200x64xf32, #tpu.memory_space<vmem>> -> memref<1x72x64xf32, #tpu.memory_space<vmem>>
      %dma_wait3A_124 = tpu.memref_squeeze %dma_wait3A_123 : memref<1x72x64xf32, #tpu.memory_space<vmem>> -> memref<72x64xf32, #tpu.memory_space<vmem>>
      %dma_wait3A_125 = arith.constant 128 : i32
      %dma_wait3A_126 = tpu.memref_slice %arg5[%dma_wait3A_119, %dma_wait3A_125] : memref<128x200xi32, #tpu.memory_space<vmem>> -> memref<1x72xi32, #tpu.memory_space<vmem>>
      %dma_wait3A_127 = tpu.memref_squeeze %dma_wait3A_126 : memref<1x72xi32, #tpu.memory_space<vmem>> -> memref<72xi32, #tpu.memory_space<vmem>>
      %dma_wait3A_128 = arith.constant 0 : i32
      %dma_wait3A_129 = arith.constant 0 : i32
      %dma_wait3A_130 = tpu.memref_slice %arg3[%dma_wait3A_128, %dma_wait3A_129] : memref<1000000x64xf32, #tpu.memory_space<hbm>> -> memref<1000000x64xf32, #tpu.memory_space<hbm>>
      tpu.wait_indirect_dma semaphore(%arg7 : memref<!tpu.dma_semaphore, #tpu.memory_space<semaphore_mem>>) src(%dma_wait3A_130 : memref<1000000x64xf32, #tpu.memory_space<hbm>>) dst(%dma_wait3A_124 : memref<72x64xf32, #tpu.memory_space<vmem>>)
      %add3A_131 = arith.addi %mul3A_2, %add3A_107 : i32
      %dma_start3A_132 = arith.constant 0 : i32
      %dma_start3A_133 = arith.constant 0 : i32
      %dma_start3A_134 = arith.constant 0 : i32
      %dma_start3A_135 = tpu.memref_slice %arg6[%dma_start3A_132, %dma_start3A_133, %dma_start3A_134] : memref<4x200x64xf32, #tpu.memory_space<vmem>> -> memref<1x200x64xf32, #tpu.memory_space<vmem>>
      %dma_start3A_136 = tpu.memref_squeeze %dma_start3A_135 : memref<1x200x64xf32, #tpu.memory_space<vmem>> -> memref<200x64xf32, #tpu.memory_space<vmem>>
      %dma_start3A_137 = arith.constant 0 : i32
      %dma_start3A_138 = arith.constant 0 : i32
      %dma_start3A_139 = tpu.memref_slice %arg4[%add3A_131, %dma_start3A_137, %dma_start3A_138] : memref<4096x200x64xf32, #tpu.memory_space<hbm>> -> memref<1x200x64xf32, #tpu.memory_space<hbm>>
      %dma_start3A_140 = tpu.memref_squeeze %dma_start3A_139 : memref<1x200x64xf32, #tpu.memory_space<hbm>> -> memref<200x64xf32, #tpu.memory_space<hbm>>
      %dma_start3A_141 = arith.constant 0 : i32
      %dma_start3A_142 = arith.constant 0 : i32
      %dma_start3A_143 = tpu.memref_slice %arg4[%add3A_131, %dma_start3A_141, %dma_start3A_142] : memref<4096x200x64xf32, #tpu.memory_space<hbm>> -> memref<1x200x64xf32, #tpu.memory_space<hbm>>
      %dma_start3A_144 = tpu.memref_squeeze %dma_start3A_143 : memref<1x200x64xf32, #tpu.memory_space<hbm>> -> memref<200x64xf32, #tpu.memory_space<hbm>>
      %dma_start3A_145 = arith.constant 0 : i32
      %dma_start3A_146 = arith.constant 0 : i32
      %dma_start3A_147 = tpu.memref_slice %arg6[%dma_start3A_132, %dma_start3A_145, %dma_start3A_146] : memref<4x200x64xf32, #tpu.memory_space<vmem>> -> memref<1x200x64xf32, #tpu.memory_space<vmem>>
      %dma_start3A_148 = tpu.memref_squeeze %dma_start3A_147 : memref<1x200x64xf32, #tpu.memory_space<vmem>> -> memref<200x64xf32, #tpu.memory_space<vmem>>
      tpu.enqueue_dma source(%dma_start3A_148 : memref<200x64xf32, #tpu.memory_space<vmem>>) target(%dma_start3A_144 : memref<200x64xf32, #tpu.memory_space<hbm>>) target_semaphore(%arg11 : memref<!tpu.dma_semaphore, #tpu.memory_space<semaphore_mem>>)
      %dma_wait3A_149 = arith.constant 0 : i32
      %dma_wait3A_150 = arith.constant 0 : i32
      %dma_wait3A_151 = arith.constant 0 : i32
      %dma_wait3A_152 = tpu.memref_slice %arg6[%dma_wait3A_149, %dma_wait3A_150, %dma_wait3A_151] : memref<4x200x64xf32, #tpu.memory_space<vmem>> -> memref<1x200x64xf32, #tpu.memory_space<vmem>>
      %dma_wait3A_153 = tpu.memref_squeeze %dma_wait3A_152 : memref<1x200x64xf32, #tpu.memory_space<vmem>> -> memref<200x64xf32, #tpu.memory_space<vmem>>
      %dma_wait3A_154 = arith.constant 0 : i32
      %dma_wait3A_155 = arith.constant 0 : i32
      %dma_wait3A_156 = tpu.memref_slice %arg4[%mul3A_2, %dma_wait3A_154, %dma_wait3A_155] : memref<4096x200x64xf32, #tpu.memory_space<hbm>> -> memref<1x200x64xf32, #tpu.memory_space<hbm>>
      %dma_wait3A_157 = tpu.memref_squeeze %dma_wait3A_156 : memref<1x200x64xf32, #tpu.memory_space<hbm>> -> memref<200x64xf32, #tpu.memory_space<hbm>>
      %dma_wait3A_158 = arith.constant 0 : i32
      %dma_wait3A_159 = arith.constant 0 : i32
      %dma_wait3A_160 = tpu.memref_slice %arg4[%mul3A_2, %dma_wait3A_158, %dma_wait3A_159] : memref<4096x200x64xf32, #tpu.memory_space<hbm>> -> memref<1x200x64xf32, #tpu.memory_space<hbm>>
      %dma_wait3A_161 = tpu.memref_squeeze %dma_wait3A_160 : memref<1x200x64xf32, #tpu.memory_space<hbm>> -> memref<200x64xf32, #tpu.memory_space<hbm>>
      %dma_wait3A_162 = arith.constant 0 : i32
      %dma_wait3A_163 = arith.constant 0 : i32
      %dma_wait3A_164 = tpu.memref_slice %arg6[%dma_wait3A_149, %dma_wait3A_162, %dma_wait3A_163] : memref<4x200x64xf32, #tpu.memory_space<vmem>> -> memref<1x200x64xf32, #tpu.memory_space<vmem>>
      %dma_wait3A_165 = tpu.memref_squeeze %dma_wait3A_164 : memref<1x200x64xf32, #tpu.memory_space<vmem>> -> memref<200x64xf32, #tpu.memory_space<vmem>>
      tpu.wait_dma2 semaphore(%arg11 : memref<!tpu.dma_semaphore, #tpu.memory_space<semaphore_mem>>) src(%dma_wait3A_165 : memref<200x64xf32, #tpu.memory_space<vmem>>) dst(%dma_wait3A_161 : memref<200x64xf32, #tpu.memory_space<hbm>>)
      %add3A_166 = arith.constant 4 : i32
      %add3A_167 = arith.addi %add3A_107, %add3A_166 : i32
      %lt3A = arith.constant 128 : i32
      %lt3A_168 = arith.cmpi slt, %add3A_167, %lt3A : i32
      %convert_element_type3A = arith.extui %lt3A_168 : i1 to i32
      %cond3A = arith.constant 0 : i32
      %cond3A_169 = arith.cmpi ne, %convert_element_type3A, %cond3A : i32
      scf.if %cond3A_169 {
        %add3A_380 = arith.constant 4 : i32
        %add3A_381 = arith.addi %add3A_107, %add3A_380 : i32
        %dma_start3A_382 = arith.constant 0 : i32
        %dma_start3A_383 = arith.constant 0 : i32
        %dma_start3A_384 = arith.constant 0 : i32
        %dma_start3A_385 = tpu.memref_slice %arg6[%dma_start3A_382, %dma_start3A_383, %dma_start3A_384] : memref<4x200x64xf32, #tpu.memory_space<vmem>> -> memref<1x128x64xf32, #tpu.memory_space<vmem>>
        %dma_start3A_386 = tpu.memref_squeeze %dma_start3A_385 : memref<1x128x64xf32, #tpu.memory_space<vmem>> -> memref<128x64xf32, #tpu.memory_space<vmem>>
        %dma_start3A_387 = arith.constant 0 : i32
        %dma_start3A_388 = tpu.memref_slice %arg5[%add3A_381, %dma_start3A_387] : memref<128x200xi32, #tpu.memory_space<vmem>> -> memref<1x128xi32, #tpu.memory_space<vmem>>
        %dma_start3A_389 = tpu.memref_squeeze %dma_start3A_388 : memref<1x128xi32, #tpu.memory_space<vmem>> -> memref<128xi32, #tpu.memory_space<vmem>>
        %dma_start3A_390 = arith.constant 0 : i32
        %dma_start3A_391 = arith.constant 0 : i32
        %dma_start3A_392 = tpu.memref_slice %arg3[%dma_start3A_390, %dma_start3A_391] : memref<1000000x64xf32, #tpu.memory_space<hbm>> -> memref<1000000x64xf32, #tpu.memory_space<hbm>>
        tpu.enqueue_indirect_dma source(%dma_start3A_392 : memref<1000000x64xf32, #tpu.memory_space<hbm>>) target(%dma_start3A_386 : memref<128x64xf32, #tpu.memory_space<vmem>>) offsets(%dma_start3A_389 : memref<128xi32, #tpu.memory_space<vmem>>) semaphore(%arg7 : memref<!tpu.dma_semaphore, #tpu.memory_space<semaphore_mem>>)
        %dma_start3A_393 = arith.constant 0 : i32
        %dma_start3A_394 = arith.constant 128 : i32
        %dma_start3A_395 = arith.constant 0 : i32
        %dma_start3A_396 = tpu.memref_slice %arg6[%dma_start3A_393, %dma_start3A_394, %dma_start3A_395] : memref<4x200x64xf32, #tpu.memory_space<vmem>> -> memref<1x72x64xf32, #tpu.memory_space<vmem>>
        %dma_start3A_397 = tpu.memref_squeeze %dma_start3A_396 : memref<1x72x64xf32, #tpu.memory_space<vmem>> -> memref<72x64xf32, #tpu.memory_space<vmem>>
        %dma_start3A_398 = arith.constant 128 : i32
        %dma_start3A_399 = tpu.memref_slice %arg5[%add3A_381, %dma_start3A_398] : memref<128x200xi32, #tpu.memory_space<vmem>> -> memref<1x72xi32, #tpu.memory_space<vmem>>
        %dma_start3A_400 = tpu.memref_squeeze %dma_start3A_399 : memref<1x72xi32, #tpu.memory_space<vmem>> -> memref<72xi32, #tpu.memory_space<vmem>>
        %dma_start3A_401 = arith.constant 0 : i32
        %dma_start3A_402 = arith.constant 0 : i32
        %dma_start3A_403 = tpu.memref_slice %arg3[%dma_start3A_401, %dma_start3A_402] : memref<1000000x64xf32, #tpu.memory_space<hbm>> -> memref<1000000x64xf32, #tpu.memory_space<hbm>>
        tpu.enqueue_indirect_dma source(%dma_start3A_403 : memref<1000000x64xf32, #tpu.memory_space<hbm>>) target(%dma_start3A_397 : memref<72x64xf32, #tpu.memory_space<vmem>>) offsets(%dma_start3A_400 : memref<72xi32, #tpu.memory_space<vmem>>) semaphore(%arg7 : memref<!tpu.dma_semaphore, #tpu.memory_space<semaphore_mem>>)
      } else {
      }
      %mul3A_170 = arith.constant 4 : i32
      %mul3A_171 = arith.muli %scan3A_103, %mul3A_170 : i32
      %add3A_172 = arith.constant 1 : i32
      %add3A_173 = arith.addi %mul3A_171, %add3A_172 : i32
      %dma_wait3A_174 = arith.constant 0 : i32
      %dma_wait3A_175 = arith.constant 1 : i32
      %dma_wait3A_176 = arith.constant 0 : i32
      %dma_wait3A_177 = arith.constant 0 : i32
      %dma_wait3A_178 = tpu.memref_slice %arg6[%dma_wait3A_175, %dma_wait3A_176, %dma_wait3A_177] : memref<4x200x64xf32, #tpu.memory_space<vmem>> -> memref<1x128x64xf32, #tpu.memory_space<vmem>>
      %dma_wait3A_179 = tpu.memref_squeeze %dma_wait3A_178 : memref<1x128x64xf32, #tpu.memory_space<vmem>> -> memref<128x64xf32, #tpu.memory_space<vmem>>
      %dma_wait3A_180 = arith.constant 0 : i32
      %dma_wait3A_181 = tpu.memref_slice %arg5[%dma_wait3A_174, %dma_wait3A_180] : memref<128x200xi32, #tpu.memory_space<vmem>> -> memref<1x128xi32, #tpu.memory_space<vmem>>
      %dma_wait3A_182 = tpu.memref_squeeze %dma_wait3A_181 : memref<1x128xi32, #tpu.memory_space<vmem>> -> memref<128xi32, #tpu.memory_space<vmem>>
      %dma_wait3A_183 = arith.constant 0 : i32
      %dma_wait3A_184 = arith.constant 0 : i32
      %dma_wait3A_185 = tpu.memref_slice %arg3[%dma_wait3A_183, %dma_wait3A_184] : memref<1000000x64xf32, #tpu.memory_space<hbm>> -> memref<1000000x64xf32, #tpu.memory_space<hbm>>
      tpu.wait_indirect_dma semaphore(%arg8 : memref<!tpu.dma_semaphore, #tpu.memory_space<semaphore_mem>>) src(%dma_wait3A_185 : memref<1000000x64xf32, #tpu.memory_space<hbm>>) dst(%dma_wait3A_179 : memref<128x64xf32, #tpu.memory_space<vmem>>)
      %dma_wait3A_186 = arith.constant 0 : i32
      %dma_wait3A_187 = arith.constant 1 : i32
      %dma_wait3A_188 = arith.constant 128 : i32
      %dma_wait3A_189 = arith.constant 0 : i32
      %dma_wait3A_190 = tpu.memref_slice %arg6[%dma_wait3A_187, %dma_wait3A_188, %dma_wait3A_189] : memref<4x200x64xf32, #tpu.memory_space<vmem>> -> memref<1x72x64xf32, #tpu.memory_space<vmem>>
      %dma_wait3A_191 = tpu.memref_squeeze %dma_wait3A_190 : memref<1x72x64xf32, #tpu.memory_space<vmem>> -> memref<72x64xf32, #tpu.memory_space<vmem>>
      %dma_wait3A_192 = arith.constant 128 : i32
      %dma_wait3A_193 = tpu.memref_slice %arg5[%dma_wait3A_186, %dma_wait3A_192] : memref<128x200xi32, #tpu.memory_space<vmem>> -> memref<1x72xi32, #tpu.memory_space<vmem>>
      %dma_wait3A_194 = tpu.memref_squeeze %dma_wait3A_193 : memref<1x72xi32, #tpu.memory_space<vmem>> -> memref<72xi32, #tpu.memory_space<vmem>>
      %dma_wait3A_195 = arith.constant 0 : i32
      %dma_wait3A_196 = arith.constant 0 : i32
      %dma_wait3A_197 = tpu.memref_slice %arg3[%dma_wait3A_195, %dma_wait3A_196] : memref<1000000x64xf32, #tpu.memory_space<hbm>> -> memref<1000000x64xf32, #tpu.memory_space<hbm>>
      tpu.wait_indirect_dma semaphore(%arg8 : memref<!tpu.dma_semaphore, #tpu.memory_space<semaphore_mem>>) src(%dma_wait3A_197 : memref<1000000x64xf32, #tpu.memory_space<hbm>>) dst(%dma_wait3A_191 : memref<72x64xf32, #tpu.memory_space<vmem>>)
      %add3A_198 = arith.addi %mul3A_2, %add3A_173 : i32
      %dma_start3A_199 = arith.constant 1 : i32
      %dma_start3A_200 = arith.constant 0 : i32
      %dma_start3A_201 = arith.constant 0 : i32
      %dma_start3A_202 = tpu.memref_slice %arg6[%dma_start3A_199, %dma_start3A_200, %dma_start3A_201] : memref<4x200x64xf32, #tpu.memory_space<vmem>> -> memref<1x200x64xf32, #tpu.memory_space<vmem>>
      %dma_start3A_203 = tpu.memref_squeeze %dma_start3A_202 : memref<1x200x64xf32, #tpu.memory_space<vmem>> -> memref<200x64xf32, #tpu.memory_space<vmem>>
      %dma_start3A_204 = arith.constant 0 : i32
      %dma_start3A_205 = arith.constant 0 : i32
      %dma_start3A_206 = tpu.memref_slice %arg4[%add3A_198, %dma_start3A_204, %dma_start3A_205] : memref<4096x200x64xf32, #tpu.memory_space<hbm>> -> memref<1x200x64xf32, #tpu.memory_space<hbm>>
      %dma_start3A_207 = tpu.memref_squeeze %dma_start3A_206 : memref<1x200x64xf32, #tpu.memory_space<hbm>> -> memref<200x64xf32, #tpu.memory_space<hbm>>
      %dma_start3A_208 = arith.constant 0 : i32
      %dma_start3A_209 = arith.constant 0 : i32
      %dma_start3A_210 = tpu.memref_slice %arg4[%add3A_198, %dma_start3A_208, %dma_start3A_209] : memref<4096x200x64xf32, #tpu.memory_space<hbm>> -> memref<1x200x64xf32, #tpu.memory_space<hbm>>
      %dma_start3A_211 = tpu.memref_squeeze %dma_start3A_210 : memref<1x200x64xf32, #tpu.memory_space<hbm>> -> memref<200x64xf32, #tpu.memory_space<hbm>>
      %dma_start3A_212 = arith.constant 0 : i32
      %dma_start3A_213 = arith.constant 0 : i32
      %dma_start3A_214 = tpu.memref_slice %arg6[%dma_start3A_199, %dma_start3A_212, %dma_start3A_213] : memref<4x200x64xf32, #tpu.memory_space<vmem>> -> memref<1x200x64xf32, #tpu.memory_space<vmem>>
      %dma_start3A_215 = tpu.memref_squeeze %dma_start3A_214 : memref<1x200x64xf32, #tpu.memory_space<vmem>> -> memref<200x64xf32, #tpu.memory_space<vmem>>
      tpu.enqueue_dma source(%dma_start3A_215 : memref<200x64xf32, #tpu.memory_space<vmem>>) target(%dma_start3A_211 : memref<200x64xf32, #tpu.memory_space<hbm>>) target_semaphore(%arg12 : memref<!tpu.dma_semaphore, #tpu.memory_space<semaphore_mem>>)
      %dma_wait3A_216 = arith.constant 1 : i32
      %dma_wait3A_217 = arith.constant 0 : i32
      %dma_wait3A_218 = arith.constant 0 : i32
      %dma_wait3A_219 = tpu.memref_slice %arg6[%dma_wait3A_216, %dma_wait3A_217, %dma_wait3A_218] : memref<4x200x64xf32, #tpu.memory_space<vmem>> -> memref<1x200x64xf32, #tpu.memory_space<vmem>>
      %dma_wait3A_220 = tpu.memref_squeeze %dma_wait3A_219 : memref<1x200x64xf32, #tpu.memory_space<vmem>> -> memref<200x64xf32, #tpu.memory_space<vmem>>
      %dma_wait3A_221 = arith.constant 0 : i32
      %dma_wait3A_222 = arith.constant 0 : i32
      %dma_wait3A_223 = tpu.memref_slice %arg4[%mul3A_2, %dma_wait3A_221, %dma_wait3A_222] : memref<4096x200x64xf32, #tpu.memory_space<hbm>> -> memref<1x200x64xf32, #tpu.memory_space<hbm>>
      %dma_wait3A_224 = tpu.memref_squeeze %dma_wait3A_223 : memref<1x200x64xf32, #tpu.memory_space<hbm>> -> memref<200x64xf32, #tpu.memory_space<hbm>>
      %dma_wait3A_225 = arith.constant 0 : i32
      %dma_wait3A_226 = arith.constant 0 : i32
      %dma_wait3A_227 = tpu.memref_slice %arg4[%mul3A_2, %dma_wait3A_225, %dma_wait3A_226] : memref<4096x200x64xf32, #tpu.memory_space<hbm>> -> memref<1x200x64xf32, #tpu.memory_space<hbm>>
      %dma_wait3A_228 = tpu.memref_squeeze %dma_wait3A_227 : memref<1x200x64xf32, #tpu.memory_space<hbm>> -> memref<200x64xf32, #tpu.memory_space<hbm>>
      %dma_wait3A_229 = arith.constant 0 : i32
      %dma_wait3A_230 = arith.constant 0 : i32
      %dma_wait3A_231 = tpu.memref_slice %arg6[%dma_wait3A_216, %dma_wait3A_229, %dma_wait3A_230] : memref<4x200x64xf32, #tpu.memory_space<vmem>> -> memref<1x200x64xf32, #tpu.memory_space<vmem>>
      %dma_wait3A_232 = tpu.memref_squeeze %dma_wait3A_231 : memref<1x200x64xf32, #tpu.memory_space<vmem>> -> memref<200x64xf32, #tpu.memory_space<vmem>>
      tpu.wait_dma2 semaphore(%arg12 : memref<!tpu.dma_semaphore, #tpu.memory_space<semaphore_mem>>) src(%dma_wait3A_232 : memref<200x64xf32, #tpu.memory_space<vmem>>) dst(%dma_wait3A_228 : memref<200x64xf32, #tpu.memory_space<hbm>>)
      %add3A_233 = arith.constant 4 : i32
      %add3A_234 = arith.addi %add3A_173, %add3A_233 : i32
      %lt3A_235 = arith.constant 128 : i32
      %lt3A_236 = arith.cmpi slt, %add3A_234, %lt3A_235 : i32
      %convert_element_type3A_237 = arith.extui %lt3A_236 : i1 to i32
      %cond3A_238 = arith.constant 0 : i32
      %cond3A_239 = arith.cmpi ne, %convert_element_type3A_237, %cond3A_238 : i32
      scf.if %cond3A_239 {
        %add3A_380 = arith.constant 4 : i32
        %add3A_381 = arith.addi %add3A_173, %add3A_380 : i32
        %dma_start3A_382 = arith.constant 1 : i32
        %dma_start3A_383 = arith.constant 0 : i32
        %dma_start3A_384 = arith.constant 0 : i32
        %dma_start3A_385 = tpu.memref_slice %arg6[%dma_start3A_382, %dma_start3A_383, %dma_start3A_384] : memref<4x200x64xf32, #tpu.memory_space<vmem>> -> memref<1x128x64xf32, #tpu.memory_space<vmem>>
        %dma_start3A_386 = tpu.memref_squeeze %dma_start3A_385 : memref<1x128x64xf32, #tpu.memory_space<vmem>> -> memref<128x64xf32, #tpu.memory_space<vmem>>
        %dma_start3A_387 = arith.constant 0 : i32
        %dma_start3A_388 = tpu.memref_slice %arg5[%add3A_381, %dma_start3A_387] : memref<128x200xi32, #tpu.memory_space<vmem>> -> memref<1x128xi32, #tpu.memory_space<vmem>>
        %dma_start3A_389 = tpu.memref_squeeze %dma_start3A_388 : memref<1x128xi32, #tpu.memory_space<vmem>> -> memref<128xi32, #tpu.memory_space<vmem>>
        %dma_start3A_390 = arith.constant 0 : i32
        %dma_start3A_391 = arith.constant 0 : i32
        %dma_start3A_392 = tpu.memref_slice %arg3[%dma_start3A_390, %dma_start3A_391] : memref<1000000x64xf32, #tpu.memory_space<hbm>> -> memref<1000000x64xf32, #tpu.memory_space<hbm>>
        tpu.enqueue_indirect_dma source(%dma_start3A_392 : memref<1000000x64xf32, #tpu.memory_space<hbm>>) target(%dma_start3A_386 : memref<128x64xf32, #tpu.memory_space<vmem>>) offsets(%dma_start3A_389 : memref<128xi32, #tpu.memory_space<vmem>>) semaphore(%arg8 : memref<!tpu.dma_semaphore, #tpu.memory_space<semaphore_mem>>)
        %dma_start3A_393 = arith.constant 1 : i32
        %dma_start3A_394 = arith.constant 128 : i32
        %dma_start3A_395 = arith.constant 0 : i32
        %dma_start3A_396 = tpu.memref_slice %arg6[%dma_start3A_393, %dma_start3A_394, %dma_start3A_395] : memref<4x200x64xf32, #tpu.memory_space<vmem>> -> memref<1x72x64xf32, #tpu.memory_space<vmem>>
        %dma_start3A_397 = tpu.memref_squeeze %dma_start3A_396 : memref<1x72x64xf32, #tpu.memory_space<vmem>> -> memref<72x64xf32, #tpu.memory_space<vmem>>
        %dma_start3A_398 = arith.constant 128 : i32
        %dma_start3A_399 = tpu.memref_slice %arg5[%add3A_381, %dma_start3A_398] : memref<128x200xi32, #tpu.memory_space<vmem>> -> memref<1x72xi32, #tpu.memory_space<vmem>>
        %dma_start3A_400 = tpu.memref_squeeze %dma_start3A_399 : memref<1x72xi32, #tpu.memory_space<vmem>> -> memref<72xi32, #tpu.memory_space<vmem>>
        %dma_start3A_401 = arith.constant 0 : i32
        %dma_start3A_402 = arith.constant 0 : i32
        %dma_start3A_403 = tpu.memref_slice %arg3[%dma_start3A_401, %dma_start3A_402] : memref<1000000x64xf32, #tpu.memory_space<hbm>> -> memref<1000000x64xf32, #tpu.memory_space<hbm>>
        tpu.enqueue_indirect_dma source(%dma_start3A_403 : memref<1000000x64xf32, #tpu.memory_space<hbm>>) target(%dma_start3A_397 : memref<72x64xf32, #tpu.memory_space<vmem>>) offsets(%dma_start3A_400 : memref<72xi32, #tpu.memory_space<vmem>>) semaphore(%arg8 : memref<!tpu.dma_semaphore, #tpu.memory_space<semaphore_mem>>)
      } else {
      }
      %mul3A_240 = arith.constant 4 : i32
      %mul3A_241 = arith.muli %scan3A_103, %mul3A_240 : i32
      %add3A_242 = arith.constant 2 : i32
      %add3A_243 = arith.addi %mul3A_241, %add3A_242 : i32
      %dma_wait3A_244 = arith.constant 0 : i32
      %dma_wait3A_245 = arith.constant 2 : i32
      %dma_wait3A_246 = arith.constant 0 : i32
      %dma_wait3A_247 = arith.constant 0 : i32
      %dma_wait3A_248 = tpu.memref_slice %arg6[%dma_wait3A_245, %dma_wait3A_246, %dma_wait3A_247] : memref<4x200x64xf32, #tpu.memory_space<vmem>> -> memref<1x128x64xf32, #tpu.memory_space<vmem>>
      %dma_wait3A_249 = tpu.memref_squeeze %dma_wait3A_248 : memref<1x128x64xf32, #tpu.memory_space<vmem>> -> memref<128x64xf32, #tpu.memory_space<vmem>>
      %dma_wait3A_250 = arith.constant 0 : i32
      %dma_wait3A_251 = tpu.memref_slice %arg5[%dma_wait3A_244, %dma_wait3A_250] : memref<128x200xi32, #tpu.memory_space<vmem>> -> memref<1x128xi32, #tpu.memory_space<vmem>>
      %dma_wait3A_252 = tpu.memref_squeeze %dma_wait3A_251 : memref<1x128xi32, #tpu.memory_space<vmem>> -> memref<128xi32, #tpu.memory_space<vmem>>
      %dma_wait3A_253 = arith.constant 0 : i32
      %dma_wait3A_254 = arith.constant 0 : i32
      %dma_wait3A_255 = tpu.memref_slice %arg3[%dma_wait3A_253, %dma_wait3A_254] : memref<1000000x64xf32, #tpu.memory_space<hbm>> -> memref<1000000x64xf32, #tpu.memory_space<hbm>>
      tpu.wait_indirect_dma semaphore(%arg9 : memref<!tpu.dma_semaphore, #tpu.memory_space<semaphore_mem>>) src(%dma_wait3A_255 : memref<1000000x64xf32, #tpu.memory_space<hbm>>) dst(%dma_wait3A_249 : memref<128x64xf32, #tpu.memory_space<vmem>>)
      %dma_wait3A_256 = arith.constant 0 : i32
      %dma_wait3A_257 = arith.constant 2 : i32
      %dma_wait3A_258 = arith.constant 128 : i32
      %dma_wait3A_259 = arith.constant 0 : i32
      %dma_wait3A_260 = tpu.memref_slice %arg6[%dma_wait3A_257, %dma_wait3A_258, %dma_wait3A_259] : memref<4x200x64xf32, #tpu.memory_space<vmem>> -> memref<1x72x64xf32, #tpu.memory_space<vmem>>
      %dma_wait3A_261 = tpu.memref_squeeze %dma_wait3A_260 : memref<1x72x64xf32, #tpu.memory_space<vmem>> -> memref<72x64xf32, #tpu.memory_space<vmem>>
      %dma_wait3A_262 = arith.constant 128 : i32
      %dma_wait3A_263 = tpu.memref_slice %arg5[%dma_wait3A_256, %dma_wait3A_262] : memref<128x200xi32, #tpu.memory_space<vmem>> -> memref<1x72xi32, #tpu.memory_space<vmem>>
      %dma_wait3A_264 = tpu.memref_squeeze %dma_wait3A_263 : memref<1x72xi32, #tpu.memory_space<vmem>> -> memref<72xi32, #tpu.memory_space<vmem>>
      %dma_wait3A_265 = arith.constant 0 : i32
      %dma_wait3A_266 = arith.constant 0 : i32
      %dma_wait3A_267 = tpu.memref_slice %arg3[%dma_wait3A_265, %dma_wait3A_266] : memref<1000000x64xf32, #tpu.memory_space<hbm>> -> memref<1000000x64xf32, #tpu.memory_space<hbm>>
      tpu.wait_indirect_dma semaphore(%arg9 : memref<!tpu.dma_semaphore, #tpu.memory_space<semaphore_mem>>) src(%dma_wait3A_267 : memref<1000000x64xf32, #tpu.memory_space<hbm>>) dst(%dma_wait3A_261 : memref<72x64xf32, #tpu.memory_space<vmem>>)
      %add3A_268 = arith.addi %mul3A_2, %add3A_243 : i32
      %dma_start3A_269 = arith.constant 2 : i32
      %dma_start3A_270 = arith.constant 0 : i32
      %dma_start3A_271 = arith.constant 0 : i32
      %dma_start3A_272 = tpu.memref_slice %arg6[%dma_start3A_269, %dma_start3A_270, %dma_start3A_271] : memref<4x200x64xf32, #tpu.memory_space<vmem>> -> memref<1x200x64xf32, #tpu.memory_space<vmem>>
      %dma_start3A_273 = tpu.memref_squeeze %dma_start3A_272 : memref<1x200x64xf32, #tpu.memory_space<vmem>> -> memref<200x64xf32, #tpu.memory_space<vmem>>
      %dma_start3A_274 = arith.constant 0 : i32
      %dma_start3A_275 = arith.constant 0 : i32
      %dma_start3A_276 = tpu.memref_slice %arg4[%add3A_268, %dma_start3A_274, %dma_start3A_275] : memref<4096x200x64xf32, #tpu.memory_space<hbm>> -> memref<1x200x64xf32, #tpu.memory_space<hbm>>
      %dma_start3A_277 = tpu.memref_squeeze %dma_start3A_276 : memref<1x200x64xf32, #tpu.memory_space<hbm>> -> memref<200x64xf32, #tpu.memory_space<hbm>>
      %dma_start3A_278 = arith.constant 0 : i32
      %dma_start3A_279 = arith.constant 0 : i32
      %dma_start3A_280 = tpu.memref_slice %arg4[%add3A_268, %dma_start3A_278, %dma_start3A_279] : memref<4096x200x64xf32, #tpu.memory_space<hbm>> -> memref<1x200x64xf32, #tpu.memory_space<hbm>>
      %dma_start3A_281 = tpu.memref_squeeze %dma_start3A_280 : memref<1x200x64xf32, #tpu.memory_space<hbm>> -> memref<200x64xf32, #tpu.memory_space<hbm>>
      %dma_start3A_282 = arith.constant 0 : i32
      %dma_start3A_283 = arith.constant 0 : i32
      %dma_start3A_284 = tpu.memref_slice %arg6[%dma_start3A_269, %dma_start3A_282, %dma_start3A_283] : memref<4x200x64xf32, #tpu.memory_space<vmem>> -> memref<1x200x64xf32, #tpu.memory_space<vmem>>
      %dma_start3A_285 = tpu.memref_squeeze %dma_start3A_284 : memref<1x200x64xf32, #tpu.memory_space<vmem>> -> memref<200x64xf32, #tpu.memory_space<vmem>>
      tpu.enqueue_dma source(%dma_start3A_285 : memref<200x64xf32, #tpu.memory_space<vmem>>) target(%dma_start3A_281 : memref<200x64xf32, #tpu.memory_space<hbm>>) target_semaphore(%arg13 : memref<!tpu.dma_semaphore, #tpu.memory_space<semaphore_mem>>)
      %dma_wait3A_286 = arith.constant 2 : i32
      %dma_wait3A_287 = arith.constant 0 : i32
      %dma_wait3A_288 = arith.constant 0 : i32
      %dma_wait3A_289 = tpu.memref_slice %arg6[%dma_wait3A_286, %dma_wait3A_287, %dma_wait3A_288] : memref<4x200x64xf32, #tpu.memory_space<vmem>> -> memref<1x200x64xf32, #tpu.memory_space<vmem>>
      %dma_wait3A_290 = tpu.memref_squeeze %dma_wait3A_289 : memref<1x200x64xf32, #tpu.memory_space<vmem>> -> memref<200x64xf32, #tpu.memory_space<vmem>>
      %dma_wait3A_291 = arith.constant 0 : i32
      %dma_wait3A_292 = arith.constant 0 : i32
      %dma_wait3A_293 = tpu.memref_slice %arg4[%mul3A_2, %dma_wait3A_291, %dma_wait3A_292] : memref<4096x200x64xf32, #tpu.memory_space<hbm>> -> memref<1x200x64xf32, #tpu.memory_space<hbm>>
      %dma_wait3A_294 = tpu.memref_squeeze %dma_wait3A_293 : memref<1x200x64xf32, #tpu.memory_space<hbm>> -> memref<200x64xf32, #tpu.memory_space<hbm>>
      %dma_wait3A_295 = arith.constant 0 : i32
      %dma_wait3A_296 = arith.constant 0 : i32
      %dma_wait3A_297 = tpu.memref_slice %arg4[%mul3A_2, %dma_wait3A_295, %dma_wait3A_296] : memref<4096x200x64xf32, #tpu.memory_space<hbm>> -> memref<1x200x64xf32, #tpu.memory_space<hbm>>
      %dma_wait3A_298 = tpu.memref_squeeze %dma_wait3A_297 : memref<1x200x64xf32, #tpu.memory_space<hbm>> -> memref<200x64xf32, #tpu.memory_space<hbm>>
      %dma_wait3A_299 = arith.constant 0 : i32
      %dma_wait3A_300 = arith.constant 0 : i32
      %dma_wait3A_301 = tpu.memref_slice %arg6[%dma_wait3A_286, %dma_wait3A_299, %dma_wait3A_300] : memref<4x200x64xf32, #tpu.memory_space<vmem>> -> memref<1x200x64xf32, #tpu.memory_space<vmem>>
      %dma_wait3A_302 = tpu.memref_squeeze %dma_wait3A_301 : memref<1x200x64xf32, #tpu.memory_space<vmem>> -> memref<200x64xf32, #tpu.memory_space<vmem>>
      tpu.wait_dma2 semaphore(%arg13 : memref<!tpu.dma_semaphore, #tpu.memory_space<semaphore_mem>>) src(%dma_wait3A_302 : memref<200x64xf32, #tpu.memory_space<vmem>>) dst(%dma_wait3A_298 : memref<200x64xf32, #tpu.memory_space<hbm>>)
      %add3A_303 = arith.constant 4 : i32
      %add3A_304 = arith.addi %add3A_243, %add3A_303 : i32
      %lt3A_305 = arith.constant 128 : i32
      %lt3A_306 = arith.cmpi slt, %add3A_304, %lt3A_305 : i32
      %convert_element_type3A_307 = arith.extui %lt3A_306 : i1 to i32
      %cond3A_308 = arith.constant 0 : i32
      %cond3A_309 = arith.cmpi ne, %convert_element_type3A_307, %cond3A_308 : i32
      scf.if %cond3A_309 {
        %add3A_380 = arith.constant 4 : i32
        %add3A_381 = arith.addi %add3A_243, %add3A_380 : i32
        %dma_start3A_382 = arith.constant 2 : i32
        %dma_start3A_383 = arith.constant 0 : i32
        %dma_start3A_384 = arith.constant 0 : i32
        %dma_start3A_385 = tpu.memref_slice %arg6[%dma_start3A_382, %dma_start3A_383, %dma_start3A_384] : memref<4x200x64xf32, #tpu.memory_space<vmem>> -> memref<1x128x64xf32, #tpu.memory_space<vmem>>
        %dma_start3A_386 = tpu.memref_squeeze %dma_start3A_385 : memref<1x128x64xf32, #tpu.memory_space<vmem>> -> memref<128x64xf32, #tpu.memory_space<vmem>>
        %dma_start3A_387 = arith.constant 0 : i32
        %dma_start3A_388 = tpu.memref_slice %arg5[%add3A_381, %dma_start3A_387] : memref<128x200xi32, #tpu.memory_space<vmem>> -> memref<1x128xi32, #tpu.memory_space<vmem>>
        %dma_start3A_389 = tpu.memref_squeeze %dma_start3A_388 : memref<1x128xi32, #tpu.memory_space<vmem>> -> memref<128xi32, #tpu.memory_space<vmem>>
        %dma_start3A_390 = arith.constant 0 : i32
        %dma_start3A_391 = arith.constant 0 : i32
        %dma_start3A_392 = tpu.memref_slice %arg3[%dma_start3A_390, %dma_start3A_391] : memref<1000000x64xf32, #tpu.memory_space<hbm>> -> memref<1000000x64xf32, #tpu.memory_space<hbm>>
        tpu.enqueue_indirect_dma source(%dma_start3A_392 : memref<1000000x64xf32, #tpu.memory_space<hbm>>) target(%dma_start3A_386 : memref<128x64xf32, #tpu.memory_space<vmem>>) offsets(%dma_start3A_389 : memref<128xi32, #tpu.memory_space<vmem>>) semaphore(%arg9 : memref<!tpu.dma_semaphore, #tpu.memory_space<semaphore_mem>>)
        %dma_start3A_393 = arith.constant 2 : i32
        %dma_start3A_394 = arith.constant 128 : i32
        %dma_start3A_395 = arith.constant 0 : i32
        %dma_start3A_396 = tpu.memref_slice %arg6[%dma_start3A_393, %dma_start3A_394, %dma_start3A_395] : memref<4x200x64xf32, #tpu.memory_space<vmem>> -> memref<1x72x64xf32, #tpu.memory_space<vmem>>
        %dma_start3A_397 = tpu.memref_squeeze %dma_start3A_396 : memref<1x72x64xf32, #tpu.memory_space<vmem>> -> memref<72x64xf32, #tpu.memory_space<vmem>>
        %dma_start3A_398 = arith.constant 128 : i32
        %dma_start3A_399 = tpu.memref_slice %arg5[%add3A_381, %dma_start3A_398] : memref<128x200xi32, #tpu.memory_space<vmem>> -> memref<1x72xi32, #tpu.memory_space<vmem>>
        %dma_start3A_400 = tpu.memref_squeeze %dma_start3A_399 : memref<1x72xi32, #tpu.memory_space<vmem>> -> memref<72xi32, #tpu.memory_space<vmem>>
        %dma_start3A_401 = arith.constant 0 : i32
        %dma_start3A_402 = arith.constant 0 : i32
        %dma_start3A_403 = tpu.memref_slice %arg3[%dma_start3A_401, %dma_start3A_402] : memref<1000000x64xf32, #tpu.memory_space<hbm>> -> memref<1000000x64xf32, #tpu.memory_space<hbm>>
        tpu.enqueue_indirect_dma source(%dma_start3A_403 : memref<1000000x64xf32, #tpu.memory_space<hbm>>) target(%dma_start3A_397 : memref<72x64xf32, #tpu.memory_space<vmem>>) offsets(%dma_start3A_400 : memref<72xi32, #tpu.memory_space<vmem>>) semaphore(%arg9 : memref<!tpu.dma_semaphore, #tpu.memory_space<semaphore_mem>>)
      } else {
      }
      %mul3A_310 = arith.constant 4 : i32
      %mul3A_311 = arith.muli %scan3A_103, %mul3A_310 : i32
      %add3A_312 = arith.constant 3 : i32
      %add3A_313 = arith.addi %mul3A_311, %add3A_312 : i32
      %dma_wait3A_314 = arith.constant 0 : i32
      %dma_wait3A_315 = arith.constant 3 : i32
      %dma_wait3A_316 = arith.constant 0 : i32
      %dma_wait3A_317 = arith.constant 0 : i32
      %dma_wait3A_318 = tpu.memref_slice %arg6[%dma_wait3A_315, %dma_wait3A_316, %dma_wait3A_317] : memref<4x200x64xf32, #tpu.memory_space<vmem>> -> memref<1x128x64xf32, #tpu.memory_space<vmem>>
      %dma_wait3A_319 = tpu.memref_squeeze %dma_wait3A_318 : memref<1x128x64xf32, #tpu.memory_space<vmem>> -> memref<128x64xf32, #tpu.memory_space<vmem>>
      %dma_wait3A_320 = arith.constant 0 : i32
      %dma_wait3A_321 = tpu.memref_slice %arg5[%dma_wait3A_314, %dma_wait3A_320] : memref<128x200xi32, #tpu.memory_space<vmem>> -> memref<1x128xi32, #tpu.memory_space<vmem>>
      %dma_wait3A_322 = tpu.memref_squeeze %dma_wait3A_321 : memref<1x128xi32, #tpu.memory_space<vmem>> -> memref<128xi32, #tpu.memory_space<vmem>>
      %dma_wait3A_323 = arith.constant 0 : i32
      %dma_wait3A_324 = arith.constant 0 : i32
      %dma_wait3A_325 = tpu.memref_slice %arg3[%dma_wait3A_323, %dma_wait3A_324] : memref<1000000x64xf32, #tpu.memory_space<hbm>> -> memref<1000000x64xf32, #tpu.memory_space<hbm>>
      tpu.wait_indirect_dma semaphore(%arg10 : memref<!tpu.dma_semaphore, #tpu.memory_space<semaphore_mem>>) src(%dma_wait3A_325 : memref<1000000x64xf32, #tpu.memory_space<hbm>>) dst(%dma_wait3A_319 : memref<128x64xf32, #tpu.memory_space<vmem>>)
      %dma_wait3A_326 = arith.constant 0 : i32
      %dma_wait3A_327 = arith.constant 3 : i32
      %dma_wait3A_328 = arith.constant 128 : i32
      %dma_wait3A_329 = arith.constant 0 : i32
      %dma_wait3A_330 = tpu.memref_slice %arg6[%dma_wait3A_327, %dma_wait3A_328, %dma_wait3A_329] : memref<4x200x64xf32, #tpu.memory_space<vmem>> -> memref<1x72x64xf32, #tpu.memory_space<vmem>>
      %dma_wait3A_331 = tpu.memref_squeeze %dma_wait3A_330 : memref<1x72x64xf32, #tpu.memory_space<vmem>> -> memref<72x64xf32, #tpu.memory_space<vmem>>
      %dma_wait3A_332 = arith.constant 128 : i32
      %dma_wait3A_333 = tpu.memref_slice %arg5[%dma_wait3A_326, %dma_wait3A_332] : memref<128x200xi32, #tpu.memory_space<vmem>> -> memref<1x72xi32, #tpu.memory_space<vmem>>
      %dma_wait3A_334 = tpu.memref_squeeze %dma_wait3A_333 : memref<1x72xi32, #tpu.memory_space<vmem>> -> memref<72xi32, #tpu.memory_space<vmem>>
      %dma_wait3A_335 = arith.constant 0 : i32
      %dma_wait3A_336 = arith.constant 0 : i32
      %dma_wait3A_337 = tpu.memref_slice %arg3[%dma_wait3A_335, %dma_wait3A_336] : memref<1000000x64xf32, #tpu.memory_space<hbm>> -> memref<1000000x64xf32, #tpu.memory_space<hbm>>
      tpu.wait_indirect_dma semaphore(%arg10 : memref<!tpu.dma_semaphore, #tpu.memory_space<semaphore_mem>>) src(%dma_wait3A_337 : memref<1000000x64xf32, #tpu.memory_space<hbm>>) dst(%dma_wait3A_331 : memref<72x64xf32, #tpu.memory_space<vmem>>)
      %add3A_338 = arith.addi %mul3A_2, %add3A_313 : i32
      %dma_start3A_339 = arith.constant 3 : i32
      %dma_start3A_340 = arith.constant 0 : i32
      %dma_start3A_341 = arith.constant 0 : i32
      %dma_start3A_342 = tpu.memref_slice %arg6[%dma_start3A_339, %dma_start3A_340, %dma_start3A_341] : memref<4x200x64xf32, #tpu.memory_space<vmem>> -> memref<1x200x64xf32, #tpu.memory_space<vmem>>
      %dma_start3A_343 = tpu.memref_squeeze %dma_start3A_342 : memref<1x200x64xf32, #tpu.memory_space<vmem>> -> memref<200x64xf32, #tpu.memory_space<vmem>>
      %dma_start3A_344 = arith.constant 0 : i32
      %dma_start3A_345 = arith.constant 0 : i32
      %dma_start3A_346 = tpu.memref_slice %arg4[%add3A_338, %dma_start3A_344, %dma_start3A_345] : memref<4096x200x64xf32, #tpu.memory_space<hbm>> -> memref<1x200x64xf32, #tpu.memory_space<hbm>>
      %dma_start3A_347 = tpu.memref_squeeze %dma_start3A_346 : memref<1x200x64xf32, #tpu.memory_space<hbm>> -> memref<200x64xf32, #tpu.memory_space<hbm>>
      %dma_start3A_348 = arith.constant 0 : i32
      %dma_start3A_349 = arith.constant 0 : i32
      %dma_start3A_350 = tpu.memref_slice %arg4[%add3A_338, %dma_start3A_348, %dma_start3A_349] : memref<4096x200x64xf32, #tpu.memory_space<hbm>> -> memref<1x200x64xf32, #tpu.memory_space<hbm>>
      %dma_start3A_351 = tpu.memref_squeeze %dma_start3A_350 : memref<1x200x64xf32, #tpu.memory_space<hbm>> -> memref<200x64xf32, #tpu.memory_space<hbm>>
      %dma_start3A_352 = arith.constant 0 : i32
      %dma_start3A_353 = arith.constant 0 : i32
      %dma_start3A_354 = tpu.memref_slice %arg6[%dma_start3A_339, %dma_start3A_352, %dma_start3A_353] : memref<4x200x64xf32, #tpu.memory_space<vmem>> -> memref<1x200x64xf32, #tpu.memory_space<vmem>>
      %dma_start3A_355 = tpu.memref_squeeze %dma_start3A_354 : memref<1x200x64xf32, #tpu.memory_space<vmem>> -> memref<200x64xf32, #tpu.memory_space<vmem>>
      tpu.enqueue_dma source(%dma_start3A_355 : memref<200x64xf32, #tpu.memory_space<vmem>>) target(%dma_start3A_351 : memref<200x64xf32, #tpu.memory_space<hbm>>) target_semaphore(%arg14 : memref<!tpu.dma_semaphore, #tpu.memory_space<semaphore_mem>>)
      %dma_wait3A_356 = arith.constant 3 : i32
      %dma_wait3A_357 = arith.constant 0 : i32
      %dma_wait3A_358 = arith.constant 0 : i32
      %dma_wait3A_359 = tpu.memref_slice %arg6[%dma_wait3A_356, %dma_wait3A_357, %dma_wait3A_358] : memref<4x200x64xf32, #tpu.memory_space<vmem>> -> memref<1x200x64xf32, #tpu.memory_space<vmem>>
      %dma_wait3A_360 = tpu.memref_squeeze %dma_wait3A_359 : memref<1x200x64xf32, #tpu.memory_space<vmem>> -> memref<200x64xf32, #tpu.memory_space<vmem>>
      %dma_wait3A_361 = arith.constant 0 : i32
      %dma_wait3A_362 = arith.constant 0 : i32
      %dma_wait3A_363 = tpu.memref_slice %arg4[%mul3A_2, %dma_wait3A_361, %dma_wait3A_362] : memref<4096x200x64xf32, #tpu.memory_space<hbm>> -> memref<1x200x64xf32, #tpu.memory_space<hbm>>
      %dma_wait3A_364 = tpu.memref_squeeze %dma_wait3A_363 : memref<1x200x64xf32, #tpu.memory_space<hbm>> -> memref<200x64xf32, #tpu.memory_space<hbm>>
      %dma_wait3A_365 = arith.constant 0 : i32
      %dma_wait3A_366 = arith.constant 0 : i32
      %dma_wait3A_367 = tpu.memref_slice %arg4[%mul3A_2, %dma_wait3A_365, %dma_wait3A_366] : memref<4096x200x64xf32, #tpu.memory_space<hbm>> -> memref<1x200x64xf32, #tpu.memory_space<hbm>>
      %dma_wait3A_368 = tpu.memref_squeeze %dma_wait3A_367 : memref<1x200x64xf32, #tpu.memory_space<hbm>> -> memref<200x64xf32, #tpu.memory_space<hbm>>
      %dma_wait3A_369 = arith.constant 0 : i32
      %dma_wait3A_370 = arith.constant 0 : i32
      %dma_wait3A_371 = tpu.memref_slice %arg6[%dma_wait3A_356, %dma_wait3A_369, %dma_wait3A_370] : memref<4x200x64xf32, #tpu.memory_space<vmem>> -> memref<1x200x64xf32, #tpu.memory_space<vmem>>
      %dma_wait3A_372 = tpu.memref_squeeze %dma_wait3A_371 : memref<1x200x64xf32, #tpu.memory_space<vmem>> -> memref<200x64xf32, #tpu.memory_space<vmem>>
      tpu.wait_dma2 semaphore(%arg14 : memref<!tpu.dma_semaphore, #tpu.memory_space<semaphore_mem>>) src(%dma_wait3A_372 : memref<200x64xf32, #tpu.memory_space<vmem>>) dst(%dma_wait3A_368 : memref<200x64xf32, #tpu.memory_space<hbm>>)
      %add3A_373 = arith.constant 4 : i32
      %add3A_374 = arith.addi %add3A_313, %add3A_373 : i32
      %lt3A_375 = arith.constant 128 : i32
      %lt3A_376 = arith.cmpi slt, %add3A_374, %lt3A_375 : i32
      %convert_element_type3A_377 = arith.extui %lt3A_376 : i1 to i32
      %cond3A_378 = arith.constant 0 : i32
      %cond3A_379 = arith.cmpi ne, %convert_element_type3A_377, %cond3A_378 : i32
      scf.if %cond3A_379 {
        %add3A_380 = arith.constant 4 : i32
        %add3A_381 = arith.addi %add3A_313, %add3A_380 : i32
        %dma_start3A_382 = arith.constant 3 : i32
        %dma_start3A_383 = arith.constant 0 : i32
        %dma_start3A_384 = arith.constant 0 : i32
        %dma_start3A_385 = tpu.memref_slice %arg6[%dma_start3A_382, %dma_start3A_383, %dma_start3A_384] : memref<4x200x64xf32, #tpu.memory_space<vmem>> -> memref<1x128x64xf32, #tpu.memory_space<vmem>>
        %dma_start3A_386 = tpu.memref_squeeze %dma_start3A_385 : memref<1x128x64xf32, #tpu.memory_space<vmem>> -> memref<128x64xf32, #tpu.memory_space<vmem>>
        %dma_start3A_387 = arith.constant 0 : i32
        %dma_start3A_388 = tpu.memref_slice %arg5[%add3A_381, %dma_start3A_387] : memref<128x200xi32, #tpu.memory_space<vmem>> -> memref<1x128xi32, #tpu.memory_space<vmem>>
        %dma_start3A_389 = tpu.memref_squeeze %dma_start3A_388 : memref<1x128xi32, #tpu.memory_space<vmem>> -> memref<128xi32, #tpu.memory_space<vmem>>
        %dma_start3A_390 = arith.constant 0 : i32
        %dma_start3A_391 = arith.constant 0 : i32
        %dma_start3A_392 = tpu.memref_slice %arg3[%dma_start3A_390, %dma_start3A_391] : memref<1000000x64xf32, #tpu.memory_space<hbm>> -> memref<1000000x64xf32, #tpu.memory_space<hbm>>
        tpu.enqueue_indirect_dma source(%dma_start3A_392 : memref<1000000x64xf32, #tpu.memory_space<hbm>>) target(%dma_start3A_386 : memref<128x64xf32, #tpu.memory_space<vmem>>) offsets(%dma_start3A_389 : memref<128xi32, #tpu.memory_space<vmem>>) semaphore(%arg10 : memref<!tpu.dma_semaphore, #tpu.memory_space<semaphore_mem>>)
        %dma_start3A_393 = arith.constant 3 : i32
        %dma_start3A_394 = arith.constant 128 : i32
        %dma_start3A_395 = arith.constant 0 : i32
        %dma_start3A_396 = tpu.memref_slice %arg6[%dma_start3A_393, %dma_start3A_394, %dma_start3A_395] : memref<4x200x64xf32, #tpu.memory_space<vmem>> -> memref<1x72x64xf32, #tpu.memory_space<vmem>>
        %dma_start3A_397 = tpu.memref_squeeze %dma_start3A_396 : memref<1x72x64xf32, #tpu.memory_space<vmem>> -> memref<72x64xf32, #tpu.memory_space<vmem>>
        %dma_start3A_398 = arith.constant 128 : i32
        %dma_start3A_399 = tpu.memref_slice %arg5[%add3A_381, %dma_start3A_398] : memref<128x200xi32, #tpu.memory_space<vmem>> -> memref<1x72xi32, #tpu.memory_space<vmem>>
        %dma_start3A_400 = tpu.memref_squeeze %dma_start3A_399 : memref<1x72xi32, #tpu.memory_space<vmem>> -> memref<72xi32, #tpu.memory_space<vmem>>
        %dma_start3A_401 = arith.constant 0 : i32
        %dma_start3A_402 = arith.constant 0 : i32
        %dma_start3A_403 = tpu.memref_slice %arg3[%dma_start3A_401, %dma_start3A_402] : memref<1000000x64xf32, #tpu.memory_space<hbm>> -> memref<1000000x64xf32, #tpu.memory_space<hbm>>
        tpu.enqueue_indirect_dma source(%dma_start3A_403 : memref<1000000x64xf32, #tpu.memory_space<hbm>>) target(%dma_start3A_397 : memref<72x64xf32, #tpu.memory_space<vmem>>) offsets(%dma_start3A_400 : memref<72xi32, #tpu.memory_space<vmem>>) semaphore(%arg10 : memref<!tpu.dma_semaphore, #tpu.memory_space<semaphore_mem>>)
      } else {
      }
    }
    %scan3A_102 = arith.constant 32 : i32
    return
  }
}

</mosaic_0001>

<sc_bundles>
// kernel: kernel.3.cloned.1.call-start
scs
__scs_entry_jumppad:
0x0: {  	(pc) =	sbr.rel $0x88, $3  }
0x1: {  	(tag) =	ssettag $0x0;
	lr =	simm.s32 $0x1  }
0x2: {  	[smem:$0x3F9F] =	sst lr;
	_ =	strace $0xD0000000  }
0x3: {  	_ = 	snop  }
0x4: {  	_ = 	snop  }
0x5: {  	_ = 	snop  }
0x6: {  	_ = 	snop  }
0x7: {  	_ = 	snop  }
__scs_overlays_trampoline_lowered:
0x8: {  	[smem:$0x3FAE] =	sst s0  }
0x9: {  	[smem:$0x3FAF] =	sst s1  }
0xa: {  	[smem:$0x3FB0] =	sst s2  }
0xb: {  	[smem:$0x3FB1] =	sst s3  }
0xc: {  	[smem:$0x3FB2] =	sst s4  }
0xd: {  	[smem:$0x3FB3] =	sst s5  }
0xe: {  	[smem:$0x3FB4] =	sst s6  }
0xf: {  	[smem:$0x3FB5] =	sst s7  }
0x10: {  	[smem:$0x3FB6] =	sst s8  }
0x11: {  	[smem:$0x3FB7] =	sst s9;
	s0 =	simm.s32 @!p0 $0x0  }
0x12: {  	s1 =	sld [smem:$0x3F9D];
	s0 =	simm.s32 @p0 $0x1  }
0x13: {  	[smem:$0x3FB8] =	sst s0;
	s0 =	simm.s32 @!p1 $0x0  }
0x14: {  	s2 =	sld [smem:$0x3F9C];
	s0 =	simm.s32 @p1 $0x1  }
0x15: {  	[smem:$0x3FB9] =	sst s0;
	s0 =	simm.s32 @!p2 $0x0  }
0x16: {  	s3 =	sld [smem:$0x3FDB];
	s0 =	simm.s32 @p2 $0x1  }
0x17: {  	s4 =	simm.s32 $0x1BF5;
	[smem:$0x3FBB] =	sst s0  }
0x18: {  	s0 =	sld [smem:$0x3F9E];
	_ =	swait.ge [sflag:s4], $0x0  }
0x19: {  	s7 =	sld [smem:$0x3F9F]  }
0x1a: {  	s8 =	sadd.s32 $0xFFFFE003, lr  }
0x1b: {  	s9 =	sadd.s32 $0xFFFFFEF7, lr;
	s5 =	simm.s32 $0xFFFFFFFF;
	p2 =	slt.u32 s8, $0xFFFFF086  }
0x1c: {  	p1 =	slt.u32 s9, $0xF7A;
	s5 =	simm.s32 @!p2 $0x0  }
0x1d: {  	s5 =	simm.s32 @p1 $0x1;
	p0 =	seq.s32 s7, s2  }
0x1e: {  	s7 =	smul.u32 @!p0 $0xF7A, s2;
	p2 =	seq.s32 @!p0 s5, $0x0  }
0x1f: {  	s9 =	smul.u32 $0xF7A, s1;
	s8 =	simm.s32 @!p0 $0x1BF5;
	p2 =	por !p2, p0  }
0x20: {  	[sflag:s8] =	ssyncset.s32 @!p0 $0xFFFFF086;
	s6 =	sadd.s32 @!p0 s3, s7;
	s7 =	simm.s32 @!p0 $0x108  }
0x21: {  	s3 =	sadd.s32 s3, s9;
	s6 =	sadd.s32 @!p0 $0x88, s6;
	s7 =	simm.s32 @p2 $0x1082  }
0x22: {  	[simem:s7], [sflag:s8] =	dma.local @!p0 [hbm:s6], $0xF7A  }
0x23: {  	s9 =	sor.u32 $0xD0000000, s2;
	s6 =	simm.s32 $0x108;
	_ =	swait.ge @!p0 [sflag:s8], $0x0  }
0x24: {  	s3 =	sadd.s32 $0x88, s3;
	s6 =	simm.s32 @!p1 $0x1082;
	[sflag:s4] =	ssyncset.s32 $0xFFFFF086  }
0x25: {  	[simem:s6], [sflag:s4] =	dma.local [hbm:s3], $0xF7A  }
0x26: {  	[smem:$0x3F9F] =	sst s1;
	(tag) =	ssettag s2;
	_ =	strace s9  }
0x27: {  	s1 =	sld [smem:$0x3FAF]  }
0x28: {  	s2 =	sld [smem:$0x3FB0]  }
0x29: {  	s4 =	sld [smem:$0x3FB2]  }
0x2a: {  	p0 =	seq.s32 s5, $0x0;
	s5 =	sld [smem:$0x3FB3]  }
0x2b: {  	s6 =	sld [smem:$0x3FB4]  }
0x2c: {  	s7 =	sld [smem:$0x3FB5]  }
0x2d: {  	s3 =	simm.s32 $0x108;
	s8 =	sld [smem:$0x3FB6]  }
0x2e: {  	s3 =	simm.s32 @!p0 $0x1082;
	s9 =	sld [smem:$0x3FB7]  }
0x2f: {  	lr =	sadd.s32 s0, s3;
	s0 =	sld [smem:$0x3FAE]  }
0x30: {  	s3 =	sld [smem:$0x3FB1]  }
0x31: {  	[smem:$0x3FBA] =	sst s10  }
0x32: {  	s10 =	sld [smem:$0x3FB8];
	_ =	sdelay $0x3  }
0x33: {  	p0 =	seq.s32 s10, $0x1;
	s10 =	sld [smem:$0x3FBA];
	_ =	sdelay $0x3  }
0x34: {  	[smem:$0x3FBA] =	sst s10  }
0x35: {  	s10 =	sld [smem:$0x3FB9];
	_ =	sdelay $0x3  }
0x36: {  	p1 =	seq.s32 s10, $0x1;
	s10 =	sld [smem:$0x3FBA];
	_ =	sdelay $0x3  }
0x37: {  	[smem:$0x3FBA] =	sst s10  }
0x38: {  	s10 =	sld [smem:$0x3FBB]  }
0x39: {  	_ = 	snop;
	(pc) =	sbr.ind lr, $3  }
0x3a: {  	_ = 	snop  }
0x3b: {  	_ = 	snop  }
0x3c: {  	p2 =	seq.s32 s10, $0x1;
	s10 =	sld [smem:$0x3FBA]  }
0x3d: {  	_ =	shalt  }
0x3e: {  	_ =	shalt  }
0x3f: {  	_ =	shalt  }
0x40: {  	_ =	shalt  }
0x41: {  	_ =	shalt  }
0x42: {  	_ =	shalt  }
0x43: {  	_ =	shalt  }
0x44: {  	_ =	shalt  }
0x45: {  	_ =	shalt  }
0x46: {  	_ =	shalt  }
0x47: {  	_ =	shalt  }
0x48: {  	_ =	shalt  }
0x49: {  	_ =	shalt  }
0x4a: {  	_ =	shalt  }
0x4b: {  	_ =	shalt  }
0x4c: {  	_ =	shalt  }
0x4d: {  	_ =	shalt  }
0x4e: {  	_ =	shalt  }
0x4f: {  	_ =	shalt  }
0x50: {  	_ =	shalt  }
0x51: {  	_ =	shalt  }
0x52: {  	_ =	shalt  }
0x53: {  	_ =	shalt  }
0x54: {  	_ =	shalt  }
0x55: {  	_ =	shalt  }
0x56: {  	_ =	shalt  }
0x57: {  	_ =	shalt  }
0x58: {  	_ =	shalt  }
0x59: {  	_ =	shalt  }
0x5a: {  	_ =	shalt  }
0x5b: {  	_ =	shalt  }
0x5c: {  	_ =	shalt  }
0x5d: {  	_ =	shalt  }
0x5e: {  	_ =	shalt  }
0x5f: {  	_ =	shalt  }
0x60: {  	_ =	shalt  }
0x61: {  	_ =	shalt  }
0x62: {  	_ =	shalt  }
0x63: {  	_ =	shalt  }
0x64: {  	_ =	shalt  }
0x65: {  	_ =	shalt  }
0x66: {  	_ =	shalt  }
0x67: {  	_ =	shalt  }
0x68: {  	_ =	shalt  }
0x69: {  	_ =	shalt  }
0x6a: {  	_ =	shalt  }
0x6b: {  	_ =	shalt  }
0x6c: {  	_ =	shalt  }
0x6d: {  	_ =	shalt  }
0x6e: {  	_ =	shalt  }
0x6f: {  	_ =	shalt  }
0x70: {  	_ =	shalt  }
0x71: {  	_ =	shalt  }
0x72: {  	_ =	shalt  }
0x73: {  	_ =	shalt  }
0x74: {  	_ =	shalt  }
0x75: {  	_ =	shalt  }
0x76: {  	_ =	shalt  }
0x77: {  	_ =	shalt  }
0x78: {  	_ =	shalt  }
0x79: {  	_ =	shalt  }
0x7a: {  	_ =	shalt  }
0x7b: {  	_ =	shalt  }
0x7c: {  	_ =	shalt  }
0x7d: {  	_ =	shalt  }
0x7e: {  	_ =	shalt  }
0x7f: {  	_ =	shalt  }
0x80: {  	_ =	shalt  }
0x81: {  	_ =	shalt  }
0x82: {  	_ =	shalt  }
0x83: {  	_ =	shalt  }
0x84: {  	_ =	shalt  }
0x85: {  	_ =	shalt  }
0x86: {  	_ =	shalt  }
0x87: {  	_ =	shalt  }
.Lfunc_end0:
.L_simem_size_0:
called_computation.1_lowered:
.L_overlay_start_0:
0x88: {  	s2 =	sld [smem:$0x3FD9]  }
0x89: {  	s3 =	sld [smem:$0x3FFE];
	_ =	sdelay $0x1  }
0x8a: {  	s1 =	srdreg.scid  }
0x8b: {  	s0 =	sand.u32 $0x1, s1  }
0x8c: {  	s17 =	sshll.u32 s0, $0xA;
	s2 =	sadd.s32 s3, s2  }
0x8d: {  	s2 =	sadd.s32 s2, s17  }
0x8e: {  	[smem:$0x3FC6] =	sst s2  }
0x8f: {  	_ = 	snop  }
0x90: {  	s2 =	sld [smem:$0x3FD0];
	(tm) =	ssettm $0x1  }
0x91: {  	s18 =	sld [smem:$0x3FFB];
	_ =	sdelay $0x3  }
0x92: {  	_ =	strace s18  }
0x93: {  	s3 =	sld [smem:$0x3FFC];
	_ =	sdelay $0x3  }
0x94: {  	_ =	strace s3  }
0x95: {  	s3 =	sld [smem:$0x3FFD];
	_ =	sdelay $0x3  }
0x96: {  	_ =	strace s3  }
0x97: {  	_ =	strace $0x8FFFFFFF  }
0x98: {  	s19 =	sld [smem:$0x3FDB];
	_ =	sdelay $0x1  }
0x99: {  	s4 =	simm.s32 $_scs_section_size  }
0x9a: {  	s5 =	simm.s32 $_size__tile_overlayer_lowered;
	s6 =	simm.s32 $_tile_overlayer_lowered  }
0x9b: {  	s22 =	simm.s32 $0x1BFF;
	s21 =	sshll.u32 s6, $0x1;
	s3 =	sadd.s32 s4, s19  }
0x9c: {  	s7 =	simm.s32 $0x0;
	s20 =	sshll.u32 s5, $0x1;
	s5 =	sadd.s32 s21, s3  }
0x9d: {  	[timem:s7], [sflag:s22] =	dma.local [hbm:s5], s20  }
0x9e: {  	_ =	swait.ge [sflag:s22], s20  }
0x9f: {  	s4 =	ssub.s32 $0x0, s20;
	[sflag:s22] =	ssyncset.done $0x0  }
0xa0: {  	[sflag:s22] =	ssyncadd.s32 s4;
	_ =	sdelay $0x1  }
0xa1: {  	s23 =	simm.s32 $0x1B8B  }
0xa2: {  	_ =	swait.ge [sflag:s23], $0x1  }
0xa3: {  	[sflag:s23] =	ssyncset.done $0x0  }
0xa4: {  	s25 =	simm.s32 $0x1B8E;
	s24 =	sld [smem:$0x3FFE];
	[sflag:s23] =	ssyncadd.s32 $0xFFFFFFFF  }
0xa5: {  	s26 =	simm.s32 $execute0_lowered;
	[smem:$0x3FD2] =	sst s25  }
0xa6: {  	s5 =	sshll.u32 s26, $0x1;
	_ =	strace $0x80000046;
	[dreg:$0x1] =	wrdreg $0xFFFFFFFF  }
0xa7: {  	s28 =	simm.s32 $_size_execute0_lowered;
	s3 =	sadd.s32 s3, s5;
	[dreg:$0x0] =	wrdreg $0x0  }
0xa8: {  	s5 =	sshll.u32 s28, $0x1;
	[dreg:$0x2] =	wrdreg s3  }
0xa9: {  	[dreg:$0x3] =	wrdreg s5  }
0xaa: {  	[dreg:$0x4] =	wrdreg $0xC0  }
0xab: {  	_ =	task [dreg:s7], $0x5FFFF  }
0xac: {  	[dreg:$0x1] =	wrdreg $0xFFFFFFFF  }
0xad: {  	[dreg:$0x0] =	wrdreg $0x60  }
0xae: {  	[dreg:$0x2] =	wrdreg s24  }
0xaf: {  	[dreg:$0x3] =	wrdreg s2  }
0xb0: {  	[dreg:$0x4] =	wrdreg $0x9  }
0xb1: {  	_ =	task.clear_ibuf [dreg:s7], $0x5FFFF;
	_ =	strace $0x90000046  }
0xb2: {  	s29 =	simm.s32 $0x9;
	_ =	strace $0x80000048  }
0xb3: {  	_ =	swait.ge [sflag:s29], $0x1  }
0xb4: {  	[sflag:s29] =	ssyncadd.s32 $0xFFFFFFFF  }
0xb5: {  	_ =	strace $0x90000048  }
0xb6: {  	_ =	sfence  }
0xb7: {  	s30 =	sld [smem:$0x0];
	_ =	sdelay $0x2  }
0xb8: {  	s31 =	sshll.u32 s1, $0xD;
	s1 =	sshrl.u32 s1, $0x2  }
0xb9: {  	s3 =	sand.u32 $0x4000, s31;
	s1 =	sadd.s32 s1, s30  }
0xba: {  	s0 =	sor.u32 s3, s0;
	s1 =	sshll.u32 s1, $0x11  }
0xbb: {  	s0 =	sor.u32 s1, s0  }
0xbc: {  	s0 =	sadd.s32 $0x8F2B, s0  }
0xbd: {  	[sflag:s0] =	ssyncadd.remote.s32 $0x1  }
0xbe: {  	_ =	sfence.sel $0xFFFF  }
0xbf: {  	[dreg:$0x0] =	wrdreg $0xFFFFFFFF;
	(pc) =	sbr.abs _section_cstart, $3  }
0xc0: {  	[dreg:$0x1] =	wrdreg $0xFFFFFFFF  }
0xc1: {  	_ =	task.clear_ibuf [dreg:s7], $0x2FFFF;
	_ =	strace $0x9FFFFFFF  }
0xc2: {  	(tm) =	ssettm $0x7FFFFFFF  }
0xc3: {  	_ =	shalt  }
tec
execute0_lowered:
.L_overlay_start_1:
0x0: {  	(tag) =	ssettag $0x1  }
0x1: {  	s0 =	srdreg.scid;
	s1 =	rddreg [dreg:$0x0]  }
0x2: {  	s8 =	stileid.u32;
	s6 =	rddreg [dreg:$0x1]  }
0x3: {  	s2 =	simm.s32 $0x0;
	s9 =	simm.s32 $0x6400;
	s10 =	simm.s32 $0x48  }
0x4: {  	s13 =	simm.s32 $0x9600;
	s17 =	simm.s32 $0xC800;
	s20 =	simm.s32 $0x258  }
0x5: {  	s21 =	simm.s32 $0xFA00;
	s22 =	simm.s32 $0x2D8;
	s23 =	simm.s32 $0x11A00  }
0x6: {  	s28 =	simm.s32 $0x6;
	s29 =	simm.s32 $0x3;
	s30 =	simm.s32 $0x7  }
0x7: {  	s31 =	simm.s32 $0x4;
	s0 =	sand.u32 $0x1, s0;
	s3 =	sshll.u32 s8, $0x8  }
0x8: {  	[smem:$0x7FF] =	sst s2;
	s8 =	smul.u32 $0x64000, s8;
	s4 =	sshll.u32 s0, $0x7  }
0x9: {  	s24 =	ssub.s32 $0x2, s0;
	s0 =	smul.u32 $0x32000, s0;
	s3 =	sor.u32 s4, s3  }
0xa: {  	_ =	strace $0x80000047;
	s7 =	sshrl.u32 s24, $0x1;
	s3 =	smul.u32 $0x19, s3  }
.Ltmp0:
0xb: {  	s26 =	sadd.s32 s8, s6;
	s8 =	simm.s32 $0x80;
	(pc) =	sbr.rel .LBB2_1-.Ltmp0, $4  }
0xc: {  	s25 =	ssub.s32 s24, s7;
	s11 =	sadd.s32 s0, s26;
	s7 =	simm.s32 $0x9  }
0xd: {  	s24 =	simm.s32 $0x1;
	s26 =	simm.s32 $0x2;
	s0 =	simm.s32 $0x0  }
0xe: {  	s5 =	sadd.s32 s3, s1;
	s3 =	sadd.s32 $0xF42E00, s1;
	s1 =	simm.s32 $0x8  }
0xf: {  	s4 =	sadd.s32 $0xA00, s5;
	s5 =	smax.u32 s25, $0x1;
	s25 =	simm.s32 $0x5  }
.LBB2_4:
0x10: {  	s0 =	sadd.s32 $0x1, s0  }
0x11: {  	p0 =	sne.s32 s0, s5  }
.Ltmp1:
0x12: {  	_ = 	snop;
	(pc) =	sbr.rel @!p0 .LBB2_5-.Ltmp1, $1  }
0x13: {  	_ =	sdelay $0x3  }
.LBB2_1:
0x14: {  	[tilespmem:s2], [sflag:$0x9] =	stream.linear.gather [hbm4b:s4+s2], $0x6400, $0x38;
	[tilespmem:$0x12C00] =	vst v63  }
0x15: {  	_ =	swait.ge [sflag:s7], $0x6400  }
0x16: {  	[sflag:s7] =	ssyncset.done $0x0  }
0x17: {  	[sflag:s7] =	ssyncadd.s32 $0xFFFF9C00  }
0x18: {  	[tilespmem:s9], [sflag:$0x1] =	stream.indirect.gather [hbm4b:s3+s8], $0x40, s2, s8, $0xb8;
	[tilespmem:$0x12C00] =	vst v63  }
0x19: {  	s6 =	simm.s32 $0x8400  }
0x1a: {  	[tilespmem:s6], [sflag:$0x1] =	stream.indirect.gather [hbm4b:s3+s10], $0x40, s8, s10, $0xb8;
	[tilespmem:$0x12C00] =	vst v63  }
0x1b: {  	s14 =	simm.s32 $0xC8  }
0x1c: {  	[tilespmem:s13], [sflag:$0x2] =	stream.indirect.gather [hbm4b:s3+s8], $0x40, s14, s8, $0xb8;
	[tilespmem:$0x12C00] =	vst v63  }
0x1d: {  	s15 =	simm.s32 $0x148;
	s12 =	simm.s32 $0xB600  }
0x1e: {  	[tilespmem:s12], [sflag:$0x2] =	stream.indirect.gather [hbm4b:s3+s10], $0x40, s15, s10, $0xb8;
	[tilespmem:$0x12C00] =	vst v63  }
0x1f: {  	s16 =	simm.s32 $0x190  }
0x20: {  	[tilespmem:s17], [sflag:$0x3] =	stream.indirect.gather [hbm4b:s3+s8], $0x40, s16, s8, $0xb8;
	[tilespmem:$0x12C00] =	vst v63  }
0x21: {  	s18 =	simm.s32 $0x210;
	s19 =	simm.s32 $0xE800  }
0x22: {  	[tilespmem:s19], [sflag:$0x3] =	stream.indirect.gather [hbm4b:s3+s10], $0x40, s18, s10, $0xb8;
	[tilespmem:$0x12C00] =	vst v63  }
0x23: {  	_ = 	snop  }
0x24: {  	[tilespmem:s21], [sflag:$0x4] =	stream.indirect.gather [hbm4b:s3+s8], $0x40, s20, s8, $0xb8;
	[tilespmem:$0x12C00] =	vst v63  }
0x25: {  	s6 =	smov.u32 s11;
	s12 =	simm.s32 $0x0  }
0x26: {  	[tilespmem:s23], [sflag:$0x4] =	stream.indirect.gather [hbm4b:s3+s10], $0x40, s22, s10, $0xb8;
	[tilespmem:$0x12C00] =	vst v63  }
.LBB2_2:
0x27: {  	_ =	swait.ge [sflag:s24], $0x2000  }
0x28: {  	[sflag:s24] =	ssyncset.done $0x0  }
0x29: {  	[sflag:s24] =	ssyncadd.s32 $0xFFFFE000  }
0x2a: {  	_ =	swait.ge [sflag:s24], $0x1200  }
0x2b: {  	[sflag:s24] =	ssyncset.done $0x0  }
0x2c: {  	[sflag:s24] =	ssyncadd.s32 $0xFFFFEE00  }
0x2d: {  	[hbm4b:s6+s2] =	stream.linear.scatter [tilespmem:s9], [sflag:$0x5], $0x3200, $0x38;
	[tilespmem:$0x12C00] =	vst v63  }
0x2e: {  	p0 =	seq.s32 s12, $0x18380;
	_ =	swait.ge [sflag:s25], $0x3200  }
0x2f: {  	s14 =	sshra.s32 @!p0 s12, $0x2;
	s16 =	simm.s32 @!p0 $0x80;
	[sflag:s25] =	ssyncset.done $0x0  }
0x30: {  	s18 =	simm.s32 @!p0 $0x6400;
	s15 =	sadd.s32 @!p0 $0x320, s14;
	[sflag:s25] =	ssyncadd.s32 $0xFFFFCE00  }
0x31: {  	[tilespmem:s18], [sflag:$0x1] =	stream.indirect.gather @!p0 [hbm4b:s3+s16], $0x40, s15, s16, $0xb8;
	[tilespmem:$0x12C00] =	vst v63  }
0x32: {  	s19 =	simm.s32 @!p0 $0x8400;
	s15 =	sadd.s32 @!p0 $0x3A0, s14;
	s18 =	simm.s32 @!p0 $0x48  }
0x33: {  	[tilespmem:s19], [sflag:$0x1] =	stream.indirect.gather @!p0 [hbm4b:s3+s18], $0x40, s15, s18, $0xb8;
	[tilespmem:$0x12C00] =	vst v63  }
0x34: {  	_ =	swait.ge [sflag:s26], $0x2000  }
0x35: {  	[sflag:s26] =	ssyncset.done $0x0  }
0x36: {  	[sflag:s26] =	ssyncadd.s32 $0xFFFFE000  }
0x37: {  	_ =	swait.ge [sflag:s26], $0x1200  }
0x38: {  	[sflag:s26] =	ssyncset.done $0x0  }
0x39: {  	s19 =	sadd.s32 $0x640, s6;
	[sflag:s26] =	ssyncadd.s32 $0xFFFFEE00  }
0x3a: {  	[hbm4b:s19+s2] =	stream.linear.scatter [tilespmem:s13], [sflag:$0x6], $0x3200, $0x38;
	[tilespmem:$0x12C00] =	vst v63  }
0x3b: {  	_ =	swait.ge [sflag:s28], $0x3200  }
0x3c: {  	[sflag:s28] =	ssyncset.done $0x0  }
0x3d: {  	s15 =	sadd.s32 @!p0 $0x3E8, s14;
	s19 =	simm.s32 @!p0 $0x9600;
	[sflag:s28] =	ssyncadd.s32 $0xFFFFCE00  }
0x3e: {  	[tilespmem:s19], [sflag:$0x2] =	stream.indirect.gather @!p0 [hbm4b:s3+s16], $0x40, s15, s16, $0xb8;
	[tilespmem:$0x12C00] =	vst v63  }
0x3f: {  	s15 =	sadd.s32 @!p0 $0x468, s14;
	s19 =	simm.s32 @!p0 $0xB600  }
0x40: {  	[tilespmem:s19], [sflag:$0x2] =	stream.indirect.gather @!p0 [hbm4b:s3+s18], $0x40, s15, s18, $0xb8;
	[tilespmem:$0x12C00] =	vst v63  }
0x41: {  	_ =	swait.ge [sflag:s29], $0x2000  }
0x42: {  	[sflag:s29] =	ssyncset.done $0x0  }
0x43: {  	[sflag:s29] =	ssyncadd.s32 $0xFFFFE000  }
0x44: {  	_ =	swait.ge [sflag:s29], $0x1200  }
0x45: {  	[sflag:s29] =	ssyncset.done $0x0  }
0x46: {  	s19 =	sadd.s32 $0xC80, s6;
	[sflag:s29] =	ssyncadd.s32 $0xFFFFEE00  }
0x47: {  	[hbm4b:s19+s2] =	stream.linear.scatter [tilespmem:s17], [sflag:$0x7], $0x3200, $0x38;
	[tilespmem:$0x12C00] =	vst v63  }
0x48: {  	_ =	swait.ge [sflag:s30], $0x3200  }
0x49: {  	[sflag:s30] =	ssyncset.done $0x0  }
0x4a: {  	s15 =	sadd.s32 @!p0 $0x4B0, s14;
	s19 =	simm.s32 @!p0 $0xC800;
	[sflag:s30] =	ssyncadd.s32 $0xFFFFCE00  }
0x4b: {  	[tilespmem:s19], [sflag:$0x3] =	stream.indirect.gather @!p0 [hbm4b:s3+s16], $0x40, s15, s16, $0xb8;
	[tilespmem:$0x12C00] =	vst v63  }
0x4c: {  	s14 =	sadd.s32 @!p0 $0x530, s14;
	s15 =	simm.s32 @!p0 $0xE800  }
0x4d: {  	[tilespmem:s15], [sflag:$0x3] =	stream.indirect.gather @!p0 [hbm4b:s3+s18], $0x40, s14, s18, $0xb8;
	[tilespmem:$0x12C00] =	vst v63  }
0x4e: {  	_ =	swait.ge [sflag:s31], $0x2000  }
0x4f: {  	[sflag:s31] =	ssyncset.done $0x0  }
0x50: {  	[sflag:s31] =	ssyncadd.s32 $0xFFFFE000  }
0x51: {  	_ =	swait.ge [sflag:s31], $0x1200  }
0x52: {  	[sflag:s31] =	ssyncset.done $0x0  }
.Ltmp2:
0x53: {  	s19 =	sadd.s32 $0x12C0, s6;
	[sflag:s31] =	ssyncadd.s32 $0xFFFFEE00;
	(pc) =	sbr.rel @p0 .LBB2_4-.Ltmp2, $4  }
0x54: {  	[hbm4b:s19+s2] =	stream.linear.scatter [tilespmem:s21], [sflag:$0x8], $0x3200, $0x38;
	[tilespmem:$0x12C00] =	vst v63  }
0x55: {  	_ =	swait.ge [sflag:s1], $0x3200  }
0x56: {  	[sflag:s1] =	ssyncset.done $0x0  }
0x57: {  	[sflag:s1] =	ssyncadd.s32 $0xFFFFCE00  }
.Ltmp3:
0x58: {  	s14 =	sshra.s32 s12, $0x2;
	(pc) =	sbr.rel .LBB2_2-.Ltmp3, $4  }
0x59: {  	s15 =	sadd.s32 $0x578, s14  }
0x5a: {  	[tilespmem:s21], [sflag:$0x4] =	stream.indirect.gather [hbm4b:s3+s8], $0x40, s15, s8, $0xb8;
	[tilespmem:$0x12C00] =	vst v63  }
0x5b: {  	s12 =	sadd.s32 $0xC80, s12;
	s6 =	sadd.s32 $0x1900, s6;
	s14 =	sadd.s32 $0x5F8, s14  }
0x5c: {  	[tilespmem:s23], [sflag:$0x4] =	stream.indirect.gather [hbm4b:s3+s10], $0x40, s14, s10, $0xb8;
	[tilespmem:$0x12C00] =	vst v63  }
.LBB2_5:
0x5d: {  	_ =	sfence.sel $0x180000  }
0x5e: {  	[bflag:$0x0] =	sbarrier.arrive $0xFFFF  }
0x5f: {  	_ =	strace $0x90000047  }
0x60: {  	s0 =	stileid.u32;
	[bflag:$0x2] =	sbarrier.arrive $0xFFFF  }
0x61: {  	p0 =	sne.s32 s0, $0x0;
	s0 =	rddreg [dreg:$0x2]  }
0x62: {  	s0 =	sadd.s32 @!p0 $0x100000, s0  }
0x63: {  	[sflag:s0] =	ssyncadd.tile.s32 @!p0 $0x1;
	_ =	shalt  }
.Lfunc_end2:
_tile_overlayer_lowered:
.L_overlay_start_2:
0x64: {  	(tag) =	ssettag $0x2  }
0x65: {  	s0 =	rddreg [dreg:$0x0];
	s2 =	stileid.u32  }
0x66: {  	s1 =	rddreg [dreg:$0x1];
	p0 =	sne.s32 s2, $0x0  }
0x67: {  	s3 =	rddreg [dreg:$0x2];
	[bflag:$0x3] =	sbarrier.arrive $0xFFFF;
	s2 =	simm.s32 @!p0 $0x1C09  }
0x68: {  	[timem:s3], [sflag:s2] =	dma.local @!p0 [hbm:s0], s1  }
0x69: {  	s0 =	simm.s32 @!p0 $0x9  }
0x6a: {  	_ =	swait.ge @!p0 [sflag:s0], s1  }
0x6b: {  	s1 =	ssub.s32 @!p0 $0x0, s1;
	[sflag:s0] =	ssyncset.done @!p0 $0x0  }
0x6c: {  	[sflag:s0] =	ssyncadd.s32 @!p0 s1  }
0x6d: {  	[bflag:$0x3] =	sbarrier.arrive $0xFFFF  }
0x6e: {  	_ =	shalt  }

// kernel: sparse-core-data-format-call.cloned.1.call-start
scs
called_computation_lowered:
.L_overlay_start_0:
0x0: {  	s2 =	sld [smem:$0x3FD9]  }
0x1: {  	s3 =	sld [smem:$0x3FFE];
	_ =	sdelay $0x1  }
0x2: {  	s1 =	srdreg.scid  }
0x3: {  	s0 =	sand.u32 $0x1, s1  }
0x4: {  	s18 =	sshll.u32 s0, $0xA;
	s2 =	sadd.s32 s3, s2  }
0x5: {  	s2 =	sadd.s32 s2, s18  }
0x6: {  	[smem:$0x3FC6] =	sst s2  }
0x7: {  	_ = 	snop  }
0x8: {  	s2 =	sld [smem:$0x3FD0];
	(tm) =	ssettm $0x1  }
0x9: {  	s19 =	sld [smem:$0x3FFB];
	_ =	sdelay $0x3  }
0xa: {  	_ =	strace s19  }
0xb: {  	s3 =	sld [smem:$0x3FFC];
	_ =	sdelay $0x3  }
0xc: {  	_ =	strace s3  }
0xd: {  	s3 =	sld [smem:$0x3FFD];
	_ =	sdelay $0x3  }
0xe: {  	_ =	strace s3  }
0xf: {  	_ =	strace $0x8FFFFFFF  }
0x10: {  	s20 =	sld [smem:$0x3FDB];
	_ =	sdelay $0x1  }
0x11: {  	s4 =	simm.s32 $_scs_section_size  }
0x12: {  	s5 =	simm.s32 $_size__tile_overlayer_lowered;
	s6 =	simm.s32 $_tile_overlayer_lowered  }
0x13: {  	s23 =	simm.s32 $0x1BFF;
	s22 =	sshll.u32 s6, $0x1;
	s3 =	sadd.s32 s4, s20  }
0x14: {  	s7 =	simm.s32 $0x0;
	s21 =	sshll.u32 s5, $0x1;
	s5 =	sadd.s32 s22, s3  }
0x15: {  	[timem:s7], [sflag:s23] =	dma.local [hbm:s5], s21  }
0x16: {  	_ =	swait.ge [sflag:s23], s21  }
0x17: {  	s4 =	ssub.s32 $0x0, s21;
	[sflag:s23] =	ssyncset.done $0x0  }
0x18: {  	[sflag:s23] =	ssyncadd.s32 s4;
	_ =	sdelay $0x1  }
0x19: {  	s24 =	simm.s32 $0x1B8B  }
0x1a: {  	_ =	swait.ge [sflag:s24], $0x1  }
0x1b: {  	[sflag:s24] =	ssyncset.done $0x0  }
0x1c: {  	s26 =	simm.s32 $0x1B8E;
	s25 =	sld [smem:$0x3FFE];
	[sflag:s24] =	ssyncadd.s32 $0xFFFFFFFF  }
0x1d: {  	s27 =	simm.s32 $execute0_lowered;
	[smem:$0x3FD2] =	sst s26  }
0x1e: {  	s5 =	sshll.u32 s27, $0x1;
	_ =	strace $0x80000049;
	[dreg:$0x1] =	wrdreg $0xFFFFFFFF  }
0x1f: {  	s28 =	simm.s32 $_size_execute0_lowered;
	s3 =	sadd.s32 s3, s5;
	[dreg:$0x0] =	wrdreg $0x0  }
0x20: {  	s5 =	sshll.u32 s28, $0x1;
	[dreg:$0x2] =	wrdreg s3  }
0x21: {  	[dreg:$0x3] =	wrdreg s5  }
0x22: {  	[dreg:$0x4] =	wrdreg $0xC0  }
0x23: {  	_ =	task [dreg:s7], $0x5FFFF  }
0x24: {  	[dreg:$0x1] =	wrdreg $0xFFFFFFFF  }
0x25: {  	[dreg:$0x0] =	wrdreg $0x60  }
0x26: {  	[dreg:$0x2] =	wrdreg s25  }
0x27: {  	[dreg:$0x3] =	wrdreg s2  }
0x28: {  	[dreg:$0x4] =	wrdreg $0x9  }
0x29: {  	_ =	task.clear_ibuf [dreg:s7], $0x5FFFF;
	_ =	strace $0x90000049  }
0x2a: {  	s29 =	simm.s32 $0x9;
	_ =	strace $0x8000004B  }
0x2b: {  	_ =	swait.ge [sflag:s29], $0x1  }
0x2c: {  	[sflag:s29] =	ssyncadd.s32 $0xFFFFFFFF  }
0x2d: {  	_ =	strace $0x9000004B  }
0x2e: {  	_ =	sfence  }
0x2f: {  	s30 =	sld [smem:$0x0];
	_ =	sdelay $0x2  }
0x30: {  	s31 =	sshll.u32 s1, $0xD;
	s1 =	sshrl.u32 s1, $0x2  }
0x31: {  	s3 =	sand.u32 $0x4000, s31;
	s1 =	sadd.s32 s1, s30  }
0x32: {  	s0 =	sor.u32 s3, s0;
	s1 =	sshll.u32 s1, $0x11  }
0x33: {  	s0 =	sor.u32 s1, s0  }
0x34: {  	s0 =	sadd.s32 $0x8F2B, s0  }
0x35: {  	[sflag:s0] =	ssyncadd.remote.s32 $0x1  }
0x36: {  	_ =	sfence.sel $0xFFFF  }
0x37: {  	[dreg:$0x0] =	wrdreg $0xFFFFFFFF;
	(pc) =	sbr.abs _section_cstart, $3  }
0x38: {  	[dreg:$0x1] =	wrdreg $0xFFFFFFFF  }
0x39: {  	_ =	task.clear_ibuf [dreg:s7], $0x2FFFF;
	_ =	strace $0x9FFFFFFF  }
0x3a: {  	(tm) =	ssettm $0x7FFFFFFF  }
0x3b: {  	_ =	shalt  }
tec
execute0_lowered:
.L_overlay_start_1:
0x0: {  	(tag) =	ssettag $0x1  }
0x1: {  	s0 =	srdreg.scid  }
0x2: {  	s1 =	sshll.u32 s0, $0x4  }
0x3: {  	s0 =	stileid.u32;
	s1 =	sand.u32 $0x10, s1  }
0x4: {  	s1 =	sor.u32 s0, s1  }
0x5: {  	s6 =	rddreg [dreg:$0x0];
	s4 =	simm.s32 $0x1;
	s2 =	sshll.u32 s1, $0x7  }
0x6: {  	s7 =	simm.s32 $0x2;
	s12 =	simm.s32 $0x0;
	s1 =	ssub.s32 $0x1000, s2  }
0x7: {  	s8 =	simm.s32 $0x8000;
	s13 =	simm.s32 $0x0;
	s3 =	sand.u32 $0xF80, s1  }
0x8: {  	s9 =	simm.s32 $0x0;
	s5 =	sshrl.u32 s1, $0xC;
	p0 =	sne.s32 s3, $0x0  }
.Ltmp0:
0x9: {  	s1 =	rddreg [dreg:$0x2];
	s4 =	simm.s32 @!p0 $0x0;
	(pc) =	sbr.rel .LBB1_1-.Ltmp0, $4  }
0xa: {  	s11 =	simm.s32 $0x0;
	s3 =	rddreg [dreg:$0x1];
	s5 =	sadd.s32 s4, s5  }
0xb: {  	_ =	strace $0x8000004A;
	s4 =	simm.s32 $0x1;
	s5 =	smul.u32 $0xC8, s5  }
0xc: {  	s6 =	sadd.s32 $0xA00, s6;
	s10 =	smov.u32 s2;
	[sflag:s4] =	ssyncpa.u1 $0x0  }
0xd: {  	p0 =	por $0x0, $0x0;
	[sflag:s7] =	ssyncpa.u1 $0x0;
	s7 =	sor.u32 $0x1, s5  }
.LBB1_4:
0xe: {  	s16 =	sshll.u32 s13, $0x3;
	s17 =	sand.u32 $0x78, s13  }
0xf: {  	s30 =	sand.u32 $0x7E00, s13;
	s12 =	sshll.u32 s12, $0xF;
	s16 =	sand.u32 $0xC00, s16  }
0x10: {  	[tilespmem:s15+$0x810 ss:$0x81] =	vst.msk $0xffff, v2;
	s31 =	sand.u32 $0x7, s13;
	s16 =	sor.u32 s17, s16;
	s17 =	sadd.s32 s3, s30  }
0x11: {  	[tilespmem:s15+$0x1020 ss:$0x81] =	vst.msk $0xffff, v0;
	s13 =	sshll.u32 s31, $0x12;
	s12 =	sadd.s32 s12, s17;
	s16 =	sshrl.u32 s16, $0x3  }
0x12: {  	[tilespmem:s15+$0x0 ss:$0x81] =	vst.msk $0xffff, v1;
	s13 =	sor.u32 $0x400, s13;
	s12 =	sadd.s32 s16, s12  }
0x13: {  	[hbm4b:s12+s13] =	stream.strided.scatter [tilespmem:s14], [sflag:$0x2], $0x2000, s8, s13, $0x20;
	[tilespmem:$0x8080] =	vst v63  }
.LBB1_5:
0x14: {  	s14 =	sadd.s32 $0x1, s9  }
0x15: {  	s12 =	sadd.s32 $0x1000, s10;
	s16 =	smov.u32 s10;
	p2 =	sgt.s32 s14, $0xC7  }
0x16: {  	s16 =	smov.u32 @p2 s12  }
0x17: {  	s14 =	simm.s32 @p2 $0x0;
	p2 =	sgt.s32 s16, $0xFFF  }
0x18: {  	s16 =	smov.u32 @p2 s2;
	p2 =	sne.s32 s11, s7  }
.Ltmp1:
0x19: {  	p1 =	slt.u32 s11, $0x2;
	(pc) =	sbr.rel @!p2 .LBB1_6-.Ltmp1, $4  }
0x1a: {  	s15 =	simm.s32 @!p1 $0x2  }
0x1b: {  	s13 =	smov.u32 s10;
	p0 =	por !p0, !p0;
	_ =	swait.ge @!p1 [sflag:s15], $0x2000  }
0x1c: {  	s12 =	smov.u32 s9;
	[sflag:s15] =	ssyncset.done @!p1 $0x0;
	s9 =	smov.u32 s14  }
0x1d: {  	s11 =	sadd.s32 $0x1, s11;
	[sflag:s15] =	ssyncadd.s32 @!p1 $0xFFFFE000;
	s10 =	smov.u32 s16  }
.LBB1_1:
0x1e: {  	p1 =	sge.u32 s11, s5  }
0x1f: {  	s14 =	sand.u32 @!p1 $0x1FFFFFF, s9  }
0x20: {  	s15 =	smulhi.u32 @!p1 $0x147AE15, s14;
	_ =	sdelay $0x1  }
0x21: {  	s15 =	smul.u32 @!p1 $0xC8, s15  }
0x22: {  	s16 =	sxor.u32 @!p1 $0xFFFFFFFF, s11;
	s17 =	smul.u32 @!p1 $0xC80, s10  }
0x23: {  	s31 =	sadd.s32 $0xFFFFFFFF, s11;
	s16 =	sshll.u32 @!p1 s16, $0xD;
	s14 =	ssub.s32 @!p1 s14, s15  }
0x24: {  	s15 =	sand.u32 @!p1 $0x2000, s16;
	s16 =	sadd.s32 @!p1 s6, s17;
	s14 =	sshll.u32 @!p1 s14, $0x4  }
0x25: {  	s17 =	simm.s32 @!p1 $0x6400;
	s14 =	sadd.s32 @!p1 s14, s16;
	s16 =	simm.s32 @!p1 $0x40  }
0x26: {  	[tilespmem:s15], [sflag:$0x1] =	stream.strided.gather @!p1 [hbm4b:s14+s16], $0x2000, s17, s16, $0x38;
	[tilespmem:$0x8080] =	vst v63  }
0x27: {  	p1 =	sge.u32 s31, s5  }
.Ltmp2:
0x28: {  	_ = 	snop;
	(pc) =	sbr.rel @p1 .LBB1_5-.Ltmp2, $1  }
0x29: {  	_ =	sdelay $0x3  }
0x2a: {  	s14 =	simm.s32 $0x1  }
0x2b: {  	_ =	swait.ge [sflag:s4], $0x2000;
	s14 =	simm.s32 @!p0 $0x0  }
0x2c: {  	[sflag:s4] =	ssyncset.done $0x0;
	s15 =	sshll.u32 s14, $0xD  }
0x2d: {  	[sflag:s4] =	ssyncadd.s32 $0xFFFFE000;
	s18 =	sor.u32 $0x20, s15  }
0x2e: {  	s14 =	smul.u32 $0x8100, s14;
	v3 =	vld [tilespmem:s18+$0x10]  }
0x2f: {  	s30 =	sand.u32 $0x1, s11;
	v2 =	vld [tilespmem:s18+$0xFFFFFFF0]  }
0x30: {  	s15 =	smul.u32 $0x8100, s30;
	s14 =	sshrl.u32 s14, $0x2;
	v0 =	vld [tilespmem:s18+$0x0]  }
0x31: {  	v1 =	vld [tilespmem:s18+$0xFFFFFFE0];
	s16 =	sor.u32 $0x4000, s14  }
0x32: {  	s31 =	sshrl.u32 s15, $0x2;
	s15 =	sadd.s32 $0x0, s16  }
0x33: {  	s17 =	simm.s32 $0x4;
	s18 =	sadd.s32 $0x40, s18;
	s14 =	sor.u32 $0x4000, s31;
	[tilespmem:s15+$0x1830 ss:$0x81] =	vst.msk $0xffff, v3  }
.LBB1_3:
0x34: {  	v3 =	vld [tilespmem:s18+$0x10];
	p1 =	sne.s32 s17, $0x1FC;
	[tilespmem:s15+$0x810 ss:$0x81] =	vst.msk $0xffff, v2;
	s19 =	smov.u32 s17;
	s17 =	sadd.s32 $0x4, s17  }
.Ltmp3:
0x35: {  	v2 =	vld [tilespmem:s18+$0xFFFFFFF0];
	[tilespmem:s15+$0x1020 ss:$0x81] =	vst.msk $0xffff, v0;
	(pc) =	sbr.rel @p1 .LBB1_3-.Ltmp3, $4  }
0x36: {  	v0 =	vld [tilespmem:s18+$0x0];
	[tilespmem:s15+$0x0 ss:$0x81] =	vst.msk $0xffff, v1  }
0x37: {  	s15 =	sshra.s32 s19, $0x2;
	v1 =	vld [tilespmem:s18+$0xFFFFFFE0]  }
0x38: {  	s15 =	sadd.s32 s15, s16  }
0x39: {  	s18 =	sadd.s32 $0x40, s18;
	[tilespmem:s15+$0x1830 ss:$0x81] =	vst.msk $0xffff, v3  }
.Ltmp4:
0x3a: {  	_ = 	snop;
	(pc) =	sbr.rel .LBB1_4-.Ltmp4, $1  }
0x3b: {  	_ =	sdelay $0x3  }
.LBB1_6:
0x3c: {  	_ =	sfence.sel $0x180000  }
0x3d: {  	s2 =	simm.s32 $0x1;
	[bflag:$0x0] =	sbarrier.arrive $0xFFFF  }
0x3e: {  	s31 =	simm.s32 $0x2;
	[sflag:s2] =	ssyncpa.u1 $0x1  }
0x3f: {  	[sflag:s31] =	ssyncpa.u1 $0x1  }
0x40: {  	p0 =	sne.s32 s0, $0x0;
	_ =	strace $0x9000004A  }
0x41: {  	s0 =	sadd.s32 @!p0 $0x100000, s1;
	[bflag:$0x2] =	sbarrier.arrive $0xFFFF  }
0x42: {  	[sflag:s0] =	ssyncadd.tile.s32 @!p0 $0x1;
	_ =	shalt  }
.Lfunc_end1:
_tile_overlayer_lowered:
.L_overlay_start_2:
0x43: {  	(tag) =	ssettag $0x2  }
0x44: {  	s0 =	rddreg [dreg:$0x0];
	s2 =	stileid.u32  }
0x45: {  	s1 =	rddreg [dreg:$0x1];
	p0 =	sne.s32 s2, $0x0  }
0x46: {  	s3 =	rddreg [dreg:$0x2];
	[bflag:$0x3] =	sbarrier.arrive $0xFFFF;
	s2 =	simm.s32 @!p0 $0x1C01  }
0x47: {  	[timem:s3], [sflag:s2] =	dma.local @!p0 [hbm:s0], s1  }
0x48: {  	s0 =	simm.s32 @!p0 $0x1  }
0x49: {  	_ =	swait.ge @!p0 [sflag:s0], s1  }
0x4a: {  	s1 =	ssub.s32 @!p0 $0x0, s1;
	[sflag:s0] =	ssyncset.done @!p0 $0x0  }
0x4b: {  	[sflag:s0] =	ssyncadd.s32 @!p0 s1  }
0x4c: {  	[bflag:$0x3] =	sbarrier.arrive $0xFFFF  }
0x4d: {  	_ =	shalt  }

</sc_bundles>
